<compile_context>
chip_gen: v7x
topology: tpu7x:2x2x1
jax: 0.10.2.dev20260603
libtpu: 0.0.44.dev20260713+nightly
codegen_flags: <defaults>
</compile_context>

<pallas_src>
import functools
import math

import jax
import jax.numpy as jnp
from jax import lax
from jax.experimental import pallas as pl
from jax.experimental.pallas import tpu as pltpu
from jax.experimental.pallas import tpu_sc as plsc

N = 10000
E = 320000
D = 128

NC = 2
NS = 16
NW = NC * NS
C = 128
N_PAD = 10240
RPT = N_PAD // NS
DEG_W = 16

CH0 = 79
CH1 = 78
CHMAX = max(CH0, CH1)
CPAD = (CHMAX + 8 + 7) // 8 * 8
CHD = 80
TROWS = NW * CHD
E_FLAT = TROWS * C
assert NS * CH0 + NS * CH1 >= math.ceil(E / C)
assert (NS * CH0 + (NS - 1) * CH1) // 8 * 8 + CPAD <= TROWS

_MESH = plsc.VectorSubcoreMesh(core_axis_name="c", subcore_axis_name="s")


@functools.partial(
    pl.kernel,
    out_type=jax.ShapeDtypeStruct((NC, N_PAD, DEG_W), jnp.float32),
    mesh=_MESH,
    scratch_types=[
        pltpu.VMEM((CHD, C), jnp.int32),
        pltpu.VMEM((C, DEG_W), jnp.float32),
        pltpu.VMEM_SHARED((N_PAD, DEG_W), jnp.float32),
    ],
)
def _deg_kernel(coli_hbm, zeros_hbm, out_hbm, col_v, ones_v, dacc_sh):
    cid = lax.axis_index("c")
    sid = lax.axis_index("s")
    wid = sid * NC + cid

    e0 = jnp.where(lax.iota(jnp.int32, 16) == 0,
                   jnp.full((16,), 1.0, jnp.float32),
                   jnp.full((16,), 0.0, jnp.float32))

    def _fill(i, carry):
        ones_v[i] = e0
        return carry
    lax.fori_loop(0, C, _fill, 0)

    pltpu.sync_copy(zeros_hbm.at[pl.ds(sid * RPT, RPT)],
                    dacc_sh.at[pl.ds(sid * RPT, RPT)])
    pltpu.sync_copy(coli_hbm.at[wid], col_v)
    plsc.subcore_barrier()

    def _body(j, carry):
        pltpu.sync_copy(ones_v, dacc_sh.at[col_v.at[j]], add=True)
        return carry
    lax.fori_loop(0, CHD, _body, 0)

    plsc.subcore_barrier()
    pltpu.sync_copy(dacc_sh.at[pl.ds(sid * RPT, RPT)],
                    out_hbm.at[cid, pl.ds(sid * RPT, RPT)])


@functools.partial(
    pl.kernel,
    out_type=jax.ShapeDtypeStruct((NC, N_PAD, D), jnp.float32),
    mesh=_MESH,
    scratch_types=[
        pltpu.VMEM((CPAD, C), jnp.int32),
        pltpu.VMEM((CPAD, C), jnp.int32),
        pltpu.VMEM((C, D), jnp.float32),
        pltpu.VMEM_SHARED((N_PAD, D), jnp.float32),
        pltpu.SemaphoreType.DMA,
    ],
)
def _agg_kernel(g_hbm, rowi_hbm, coli_hbm, zeros_hbm, out_hbm,
                row_v, col_v, rows_v, acc_sh, gsem):
    cid = lax.axis_index("c")
    sid = lax.axis_index("s")
    nch = lax.select(cid == 0, jnp.int32(CH0), jnp.int32(CH1))
    rs = lax.select(cid == 0, sid * CH0, NS * CH0 + sid * CH1)
    rs_al = pl.multiple_of((rs // 8) * 8, 8)
    off = rs - rs_al

    pltpu.sync_copy(zeros_hbm.at[pl.ds(sid * RPT, RPT)],
                    acc_sh.at[pl.ds(sid * RPT, RPT)])
    pltpu.sync_copy(rowi_hbm.at[pl.ds(rs_al, CPAD)], row_v)
    pltpu.sync_copy(coli_hbm.at[pl.ds(rs_al, CPAD)], col_v)
    plsc.subcore_barrier()

    def _body(j, carry):
        pltpu.async_copy(g_hbm.at[row_v.at[j + off]], rows_v, gsem).wait()
        pltpu.sync_copy(rows_v, acc_sh.at[col_v.at[j + off]], add=True)
        return carry
    lax.fori_loop(0, nch, _body, 0)

    plsc.subcore_barrier()
    pltpu.sync_copy(acc_sh.at[pl.ds(sid * RPT, RPT)],
                    out_hbm.at[cid, pl.ds(sid * RPT, RPT)])


BM = 2000


def _mm_body(x_ref, w_ref, d0_ref, d1_ref, o_ref):
    deg = d0_ref[0, :, 0:1] + d1_ref[0, :, 0:1] + 1.0
    dinv = lax.rsqrt(deg)
    o_ref[...] = jnp.dot(x_ref[...], w_ref[...],
                         preferred_element_type=jnp.float32) * dinv


def _final_body(a0_ref, a1_ref, g_ref, d0_ref, d1_ref, b_ref, o_ref):
    deg = d0_ref[0, :, 0:1] + d1_ref[0, :, 0:1] + 1.0
    dinv = lax.rsqrt(deg)
    s = dinv * (a0_ref[0] + a1_ref[0] + g_ref[...]) + b_ref[...]
    o_ref[...] = jnp.maximum(s, 0.0)


def kernel(x, edge_index, W, b):
    ei = edge_index.astype(jnp.int32)
    row = ei[0]
    col = ei[1]
    npad = E_FLAT - E
    pad_iota = jnp.arange(npad, dtype=jnp.int32)
    dummy_cols = N + pad_iota % (N_PAD - N)
    dummy_rows = (pad_iota * 37) % N
    rowp = jnp.concatenate([row, dummy_rows]).reshape(TROWS, C)
    colp = jnp.concatenate([col, dummy_cols]).reshape(TROWS, C)

    zeros_deg = jnp.zeros((N_PAD, DEG_W), jnp.float32)
    zeros_acc = jnp.zeros((N_PAD, D), jnp.float32)

    degp = _deg_kernel(colp.reshape(NW, CHD, C), zeros_deg)

    g = pl.pallas_call(
        _mm_body,
        grid=(N // BM,),
        in_specs=[
            pl.BlockSpec((BM, D), lambda i: (i, 0)),
            pl.BlockSpec((D, D), lambda i: (0, 0)),
            pl.BlockSpec((1, BM, DEG_W), lambda i: (0, i, 0)),
            pl.BlockSpec((1, BM, DEG_W), lambda i: (1, i, 0)),
        ],
        out_specs=pl.BlockSpec((BM, D), lambda i: (i, 0)),
        out_shape=jax.ShapeDtypeStruct((N, D), jnp.float32),
    )(x, W, degp, degp)

    acc = _agg_kernel(g, rowp, colp, zeros_acc)

    out = pl.pallas_call(
        _final_body,
        grid=(N // BM,),
        in_specs=[
            pl.BlockSpec((1, BM, D), lambda i: (0, i, 0)),
            pl.BlockSpec((1, BM, D), lambda i: (1, i, 0)),
            pl.BlockSpec((BM, D), lambda i: (i, 0)),
            pl.BlockSpec((1, BM, DEG_W), lambda i: (0, i, 0)),
            pl.BlockSpec((1, BM, DEG_W), lambda i: (1, i, 0)),
            pl.BlockSpec((1, D), lambda i: (0, 0)),
        ],
        out_specs=pl.BlockSpec((BM, D), lambda i: (i, 0)),
        out_shape=jax.ShapeDtypeStruct((N, D), jnp.float32),
    )(acc, acc, g, degp, degp, b.reshape(1, D))

    return out

# --- scband reference (transcript-rebuilt; emitter-appended) ---
"""Pipeline reference for scband-gcn-diff-4861902979196 (READ-ONLY COPY).

The authoritative reference and input builder live on the scoring server;
editing this copy changes nothing except your own understanding.
"""

import jax, jax.numpy as jnp
import numpy as np

N_NODES = 10000
N_EDGES = 320000
D = 128

def setup_inputs(seed: int = 0) -> dict:
    key = jax.random.key(seed)
    k1, k2, k3, k4 = jax.random.split(key, 4)
    x = jax.random.normal(k1, (N_NODES, D), dtype=jnp.float32)
    edge_index = jax.random.randint(k2, (2, N_EDGES), 0, N_NODES, dtype=jnp.int64)
    # GCNConv linear weight (in=hidden_channels, out=hidden_channels), bias
    W = jax.random.normal(k3, (D, D), dtype=jnp.float32) * (1.0 / np.sqrt(D))
    b = jnp.zeros((D,), dtype=jnp.float32)
    return {"x": x, "edge_index": edge_index, "W": W, "b": b}

def reference(x, edge_index, W, b):
    # F.dropout(p=0.5, training=self.training): identity in eval mode
    N = x.shape[0]
    # GCNConv: linear transform first (no bias in lin)
    h = x @ W
    # gcn_norm with add_self_loops=True, symmetric normalization
    row = edge_index[0]
    col = edge_index[1]
    loop = jnp.arange(N, dtype=edge_index.dtype)
    row = jnp.concatenate([row, loop])
    col = jnp.concatenate([col, loop])
    ew = jnp.ones((row.shape[0],), dtype=h.dtype)
    deg = jnp.zeros((N,), dtype=h.dtype).at[col].add(ew)
    deg_inv_sqrt = jnp.where(deg > 0, jax.lax.rsqrt(deg), 0.0)
    norm = deg_inv_sqrt[row] * ew * deg_inv_sqrt[col]
    # message passing: gather source features, scale, scatter-add to dst
    msg = h[row] * norm[:, None]
    out = jnp.zeros_like(h).at[col].add(msg)
    out = out + b
    return jax.nn.relu(out)

if __name__ == "__main__":
    import jax
    _d = setup_inputs()
    print(jax.jit(kernel)(*tuple(_d.values())))

</pallas_src>

<mosaic_0001>
#map = affine_map<(d0, d1) -> (0, 0, 0)>
#map1 = affine_map<(d0, d1) -> (0, 0)>
module attributes {stable_mosaic.version = 14 : i64} {
  func.func @_deg_kernel(%arg0: i32, %arg1: i32, %arg2: memref<32x80x128xi32, #tpu.memory_space<hbm>>, %arg3: memref<10240x16xf32, #tpu.memory_space<hbm>>, %arg4: memref<2x10240x16xf32, #tpu.memory_space<hbm>>, %arg5: memref<80x128xi32, #tpu.memory_space<vmem>>, %arg6: memref<128x16xf32, #tpu.memory_space<vmem>>, %arg7: memref<10240x16xf32, #tpu.memory_space<vmem_shared>>) attributes {dimension_semantics = [#tpu.dimension_semantics<core_parallel>, #tpu.dimension_semantics<subcore_parallel>], iteration_bounds = array<i64: 2, 16>, scalar_prefetch = 0 : i64, scratch_operands = 3 : i64, tpu.core_type = #tpu.core_type<sc_vector_subcore>, window_params = [{transform_indices = #map}, {transform_indices = #map1}, {transform_indices = #map}]} {
    %mul3A = arith.constant 2 : i32
    %mul3A_0 = arith.muli %arg1, %mul3A : i32
    %add3A = arith.addi %mul3A_0, %arg0 : i32
    %iota3A = tpu.iota {dimensions = array<i32: 0>} : vector<16xi32>
    %eq3A = arith.constant 0 : i32
    %eq3A_1 = vector.broadcast %eq3A : i32 to vector<16xi32>
    %eq3A_2 = arith.cmpi eq, %iota3A, %eq3A_1 : vector<16xi32>
    %broadcast_in_dim3A = arith.constant 1.000000e+00 : f32
    %broadcast_in_dim3A_3 = vector.broadcast %broadcast_in_dim3A : f32 to vector<16xf32>
    %broadcast_in_dim3A_4 = arith.constant 0.000000e+00 : f32
    %broadcast_in_dim3A_5 = vector.broadcast %broadcast_in_dim3A_4 : f32 to vector<16xf32>
    %select_n3A = arith.select %eq3A_2, %broadcast_in_dim3A_3, %broadcast_in_dim3A_5 : vector<16xi1>, vector<16xf32>
    %scan3A = arith.constant 0 : i32
    %scan3A_6 = arith.constant 0 : i32
    %scan3A_7 = arith.constant 128 : i32
    %scan3A_8 = arith.addi %scan3A_6, %scan3A_7 : i32
    %scan3A_9 = arith.constant 1 : i32
    scf.for %scan3A_26 = %scan3A_6 to %scan3A_8 step %scan3A_9  : i32 {
      %swap3A = arith.index_cast %scan3A_26 : i32 to index
      %swap3A_27 = arith.constant 0 : index
      %swap3A_28 = tpu.vector_load %arg6[%swap3A, %swap3A_27] {strides = array<i32>} : memref<128x16xf32, #tpu.memory_space<vmem>>, vector<1x16xf32>,
      %swap3A_29 = vector.shape_cast %swap3A_28 : vector<1x16xf32> to vector<16xf32>
      %swap3A_30 = vector.shape_cast %select_n3A : vector<16xf32> to vector<1x16xf32>
      tpu.vector_store %arg6[%swap3A, %swap3A_27], %swap3A_30 {strides = array<i32>} : memref<128x16xf32, #tpu.memory_space<vmem>>, vector<1x16xf32>,
    }
    %scan3A_10 = arith.constant 128 : i32
    %mul3A_11 = arith.constant 640 : i32
    %mul3A_12 = arith.muli %arg1, %mul3A_11 : i32
    %mul3A_13 = arith.constant 640 : i32
    %mul3A_14 = arith.muli %arg1, %mul3A_13 : i32
    "tpu.region"() ({
      %run_scoped3A = tpu.sem_alloc : memref<!tpu.dma_semaphore, #tpu.memory_space<semaphore_mem>>
      %dma_start3A = arith.constant 0 : i32
      %dma_start3A_26 = tpu.memref_slice %arg7[%mul3A_14, %dma_start3A] : memref<10240x16xf32, #tpu.memory_space<vmem_shared>> -> memref<640x16xf32, #tpu.memory_space<vmem_shared>>
      %dma_start3A_27 = arith.constant 0 : i32
      %dma_start3A_28 = tpu.memref_slice %arg3[%mul3A_12, %dma_start3A_27] : memref<10240x16xf32, #tpu.memory_space<hbm>> -> memref<640x16xf32, #tpu.memory_space<hbm>>
      tpu.enqueue_dma source(%dma_start3A_28 : memref<640x16xf32, #tpu.memory_space<hbm>>) target(%dma_start3A_26 : memref<640x16xf32, #tpu.memory_space<vmem_shared>>) target_semaphore(%run_scoped3A : memref<!tpu.dma_semaphore, #tpu.memory_space<semaphore_mem>>)
      %dma_wait3A = arith.constant 0 : i32
      %dma_wait3A_29 = tpu.memref_slice %arg7[%mul3A_14, %dma_wait3A] : memref<10240x16xf32, #tpu.memory_space<vmem_shared>> -> memref<640x16xf32, #tpu.memory_space<vmem_shared>>
      %dma_wait3A_30 = arith.constant 0 : i32
      %dma_wait3A_31 = tpu.memref_slice %arg3[%mul3A_12, %dma_wait3A_30] : memref<10240x16xf32, #tpu.memory_space<hbm>> -> memref<640x16xf32, #tpu.memory_space<hbm>>
      tpu.wait_dma2 semaphore(%run_scoped3A : memref<!tpu.dma_semaphore, #tpu.memory_space<semaphore_mem>>) src(%dma_wait3A_31 : memref<640x16xf32, #tpu.memory_space<hbm>>) dst(%dma_wait3A_29 : memref<640x16xf32, #tpu.memory_space<vmem_shared>>)
      tpu.yield
    }) : () -> ()
    "tpu.region"() ({
      %run_scoped3A = tpu.sem_alloc : memref<!tpu.dma_semaphore, #tpu.memory_space<semaphore_mem>>
      %dma_start3A = arith.constant 0 : i32
      %dma_start3A_26 = arith.constant 0 : i32
      %dma_start3A_27 = tpu.memref_slice %arg2[%add3A, %dma_start3A, %dma_start3A_26] : memref<32x80x128xi32, #tpu.memory_space<hbm>> -> memref<1x80x128xi32, #tpu.memory_space<hbm>>
      %dma_start3A_28 = tpu.memref_squeeze %dma_start3A_27 : memref<1x80x128xi32, #tpu.memory_space<hbm>> -> memref<80x128xi32, #tpu.memory_space<hbm>>
      %dma_start3A_29 = arith.constant 0 : i32
      %dma_start3A_30 = arith.constant 0 : i32
      %dma_start3A_31 = tpu.memref_slice %arg2[%add3A, %dma_start3A_29, %dma_start3A_30] : memref<32x80x128xi32, #tpu.memory_space<hbm>> -> memref<1x80x128xi32, #tpu.memory_space<hbm>>
      %dma_start3A_32 = tpu.memref_squeeze %dma_start3A_31 : memref<1x80x128xi32, #tpu.memory_space<hbm>> -> memref<80x128xi32, #tpu.memory_space<hbm>>
      tpu.enqueue_dma source(%dma_start3A_32 : memref<80x128xi32, #tpu.memory_space<hbm>>) target(%arg5 : memref<80x128xi32, #tpu.memory_space<vmem>>) target_semaphore(%run_scoped3A : memref<!tpu.dma_semaphore, #tpu.memory_space<semaphore_mem>>)
      %dma_wait3A = arith.constant 0 : i32
      %dma_wait3A_33 = arith.constant 0 : i32
      %dma_wait3A_34 = tpu.memref_slice %arg2[%add3A, %dma_wait3A, %dma_wait3A_33] : memref<32x80x128xi32, #tpu.memory_space<hbm>> -> memref<1x80x128xi32, #tpu.memory_space<hbm>>
      %dma_wait3A_35 = tpu.memref_squeeze %dma_wait3A_34 : memref<1x80x128xi32, #tpu.memory_space<hbm>> -> memref<80x128xi32, #tpu.memory_space<hbm>>
      %dma_wait3A_36 = arith.constant 0 : i32
      %dma_wait3A_37 = arith.constant 0 : i32
      %dma_wait3A_38 = tpu.memref_slice %arg2[%add3A, %dma_wait3A_36, %dma_wait3A_37] : memref<32x80x128xi32, #tpu.memory_space<hbm>> -> memref<1x80x128xi32, #tpu.memory_space<hbm>>
      %dma_wait3A_39 = tpu.memref_squeeze %dma_wait3A_38 : memref<1x80x128xi32, #tpu.memory_space<hbm>> -> memref<80x128xi32, #tpu.memory_space<hbm>>
      tpu.wait_dma2 semaphore(%run_scoped3A : memref<!tpu.dma_semaphore, #tpu.memory_space<semaphore_mem>>) src(%dma_wait3A_39 : memref<80x128xi32, #tpu.memory_space<hbm>>) dst(%arg5 : memref<80x128xi32, #tpu.memory_space<vmem>>)
      tpu.yield
    }) : () -> ()
    %barrier3A = arith.constant 0 : index
    tpu.barrier barrier_id(%barrier3A)
    %scan3A_15 = arith.constant 0 : i32
    %scan3A_16 = arith.constant 0 : i32
    %scan3A_17 = arith.constant 80 : i32
    %scan3A_18 = arith.addi %scan3A_16, %scan3A_17 : i32
    %scan3A_19 = arith.constant 1 : i32
    scf.for %scan3A_26 = %scan3A_16 to %scan3A_18 step %scan3A_19  : i32 {
      "tpu.region"() ({
        %run_scoped3A = tpu.sem_alloc : memref<!tpu.dma_semaphore, #tpu.memory_space<semaphore_mem>>
        %dma_start3A = arith.constant 0 : i32
        %dma_start3A_27 = tpu.memref_slice %arg5[%scan3A_26, %dma_start3A] : memref<80x128xi32, #tpu.memory_space<vmem>> -> memref<1x128xi32, #tpu.memory_space<vmem>>
        %dma_start3A_28 = tpu.memref_squeeze %dma_start3A_27 : memref<1x128xi32, #tpu.memory_space<vmem>> -> memref<128xi32, #tpu.memory_space<vmem>>
        %dma_start3A_29 = arith.constant 0 : i32
        %dma_start3A_30 = arith.constant 0 : i32
        %dma_start3A_31 = tpu.memref_slice %arg7[%dma_start3A_29, %dma_start3A_30] : memref<10240x16xf32, #tpu.memory_space<vmem_shared>> -> memref<10240x16xf32, #tpu.memory_space<vmem_shared>>
        tpu.enqueue_indirect_dma source(%arg6 : memref<128x16xf32, #tpu.memory_space<vmem>>) target(%dma_start3A_31 : memref<10240x16xf32, #tpu.memory_space<vmem_shared>>) offsets(%dma_start3A_28 : memref<128xi32, #tpu.memory_space<vmem>>) semaphore(%run_scoped3A : memref<!tpu.dma_semaphore, #tpu.memory_space<semaphore_mem>>) {add = true}
        %dma_wait3A = arith.constant 0 : i32
        %dma_wait3A_32 = tpu.memref_slice %arg5[%scan3A_26, %dma_wait3A] : memref<80x128xi32, #tpu.memory_space<vmem>> -> memref<1x128xi32, #tpu.memory_space<vmem>>
        %dma_wait3A_33 = tpu.memref_squeeze %dma_wait3A_32 : memref<1x128xi32, #tpu.memory_space<vmem>> -> memref<128xi32, #tpu.memory_space<vmem>>
        %dma_wait3A_34 = arith.constant 0 : i32
        %dma_wait3A_35 = arith.constant 0 : i32
        %dma_wait3A_36 = tpu.memref_slice %arg7[%dma_wait3A_34, %dma_wait3A_35] : memref<10240x16xf32, #tpu.memory_space<vmem_shared>> -> memref<10240x16xf32, #tpu.memory_space<vmem_shared>>
        tpu.wait_indirect_dma semaphore(%run_scoped3A : memref<!tpu.dma_semaphore, #tpu.memory_space<semaphore_mem>>) src(%arg6 : memref<128x16xf32, #tpu.memory_space<vmem>>) dst(%dma_wait3A_36 : memref<10240x16xf32, #tpu.memory_space<vmem_shared>>)
        tpu.yield
      }) : () -> ()
    }
    %scan3A_20 = arith.constant 80 : i32
    %barrier3A_21 = arith.constant 0 : index
    tpu.barrier barrier_id(%barrier3A_21)
    %mul3A_22 = arith.constant 640 : i32
    %mul3A_23 = arith.muli %arg1, %mul3A_22 : i32
    %mul3A_24 = arith.constant 640 : i32
    %mul3A_25 = arith.muli %arg1, %mul3A_24 : i32
    "tpu.region"() ({
      %run_scoped3A = tpu.sem_alloc : memref<!tpu.dma_semaphore, #tpu.memory_space<semaphore_mem>>
      %dma_start3A = arith.constant 0 : i32
      %dma_start3A_26 = tpu.memref_slice %arg4[%arg0, %mul3A_25, %dma_start3A] : memref<2x10240x16xf32, #tpu.memory_space<hbm>> -> memref<1x640x16xf32, #tpu.memory_space<hbm>>
      %dma_start3A_27 = tpu.memref_squeeze %dma_start3A_26 : memref<1x640x16xf32, #tpu.memory_space<hbm>> -> memref<640x16xf32, #tpu.memory_space<hbm>>
      %dma_start3A_28 = arith.constant 0 : i32
      %dma_start3A_29 = tpu.memref_slice %arg7[%mul3A_23, %dma_start3A_28] : memref<10240x16xf32, #tpu.memory_space<vmem_shared>> -> memref<640x16xf32, #tpu.memory_space<vmem_shared>>
      tpu.enqueue_dma source(%dma_start3A_29 : memref<640x16xf32, #tpu.memory_space<vmem_shared>>) target(%dma_start3A_27 : memref<640x16xf32, #tpu.memory_space<hbm>>) target_semaphore(%run_scoped3A : memref<!tpu.dma_semaphore, #tpu.memory_space<semaphore_mem>>)
      %dma_wait3A = arith.constant 0 : i32
      %dma_wait3A_30 = tpu.memref_slice %arg4[%arg0, %mul3A_25, %dma_wait3A] : memref<2x10240x16xf32, #tpu.memory_space<hbm>> -> memref<1x640x16xf32, #tpu.memory_space<hbm>>
      %dma_wait3A_31 = tpu.memref_squeeze %dma_wait3A_30 : memref<1x640x16xf32, #tpu.memory_space<hbm>> -> memref<640x16xf32, #tpu.memory_space<hbm>>
      %dma_wait3A_32 = arith.constant 0 : i32
      %dma_wait3A_33 = tpu.memref_slice %arg7[%mul3A_23, %dma_wait3A_32] : memref<10240x16xf32, #tpu.memory_space<vmem_shared>> -> memref<640x16xf32, #tpu.memory_space<vmem_shared>>
      tpu.wait_dma2 semaphore(%run_scoped3A : memref<!tpu.dma_semaphore, #tpu.memory_space<semaphore_mem>>) src(%dma_wait3A_33 : memref<640x16xf32, #tpu.memory_space<vmem_shared>>) dst(%dma_wait3A_31 : memref<640x16xf32, #tpu.memory_space<hbm>>)
      tpu.yield
    }) : () -> ()
    return
  }
}

#map = affine_map<(d0, d1) -> (0, 0)>
#map1 = affine_map<(d0, d1) -> (0, 0, 0)>
module attributes {stable_mosaic.version = 14 : i64} {
  func.func @_agg_kernel(%arg0: i32, %arg1: i32, %arg2: memref<10000x128xf32, #tpu.memory_space<hbm>>, %arg3: memref<2560x128xi32, #tpu.memory_space<hbm>>, %arg4: memref<2560x128xi32, #tpu.memory_space<hbm>>, %arg5: memref<10240x128xf32, #tpu.memory_space<hbm>>, %arg6: memref<2x10240x128xf32, #tpu.memory_space<hbm>>, %arg7: memref<88x128xi32, #tpu.memory_space<vmem>>, %arg8: memref<88x128xi32, #tpu.memory_space<vmem>>, %arg9: memref<128x128xf32, #tpu.memory_space<vmem>>, %arg10: memref<10240x128xf32, #tpu.memory_space<vmem_shared>>, %arg11: memref<!tpu.dma_semaphore, #tpu.memory_space<semaphore_mem>>) attributes {dimension_semantics = [#tpu.dimension_semantics<core_parallel>, #tpu.dimension_semantics<subcore_parallel>], iteration_bounds = array<i64: 2, 16>, scalar_prefetch = 0 : i64, scratch_operands = 5 : i64, tpu.core_type = #tpu.core_type<sc_vector_subcore>, window_params = [{transform_indices = #map}, {transform_indices = #map}, {transform_indices = #map}, {transform_indices = #map}, {transform_indices = #map1}]} {
    %eq3A = arith.constant 0 : i32
    %eq3A_0 = arith.cmpi eq, %arg0, %eq3A : i32
    %select_n3A = arith.constant 78 : i32
    %select_n3A_1 = arith.constant 79 : i32
    %select_n3A_2 = arith.select %eq3A_0, %select_n3A_1, %select_n3A : i32
    %eq3A_3 = arith.constant 0 : i32
    %eq3A_4 = arith.cmpi eq, %arg0, %eq3A_3 : i32
    %mul3A = arith.constant 79 : i32
    %mul3A_5 = arith.muli %arg1, %mul3A : i32
    %mul3A_6 = arith.constant 78 : i32
    %mul3A_7 = arith.muli %arg1, %mul3A_6 : i32
    %add3A = arith.constant 1264 : i32
    %add3A_8 = arith.addi %add3A, %mul3A_7 : i32
    %select_n3A_9 = arith.select %eq3A_4, %mul3A_5, %add3A_8 : i32
    %jit3A = arith.constant 8 : i32
    %div3A = arith.divsi %select_n3A_9, %jit3A : i32
    %sign3A = arith.constant 0 : i32
    %sign3A_10 = arith.cmpi sgt, %select_n3A_9, %sign3A : i32
    %sign3A_11 = arith.extui %sign3A_10 : i1 to i32
    %sign3A_12 = arith.constant 0 : i32
    %sign3A_13 = arith.cmpi slt, %select_n3A_9, %sign3A_12 : i32
    %sign3A_14 = arith.extui %sign3A_13 : i1 to i32
    %sign3A_15 = arith.subi %sign3A_11, %sign3A_14 : i32
    %sign3A_16 = arith.constant 0 : i32
    %sign3A_17 = arith.cmpi sgt, %jit3A, %sign3A_16 : i32
    %sign3A_18 = arith.extui %sign3A_17 : i1 to i32
    %sign3A_19 = arith.constant 0 : i32
    %sign3A_20 = arith.cmpi slt, %jit3A, %sign3A_19 : i32
    %sign3A_21 = arith.extui %sign3A_20 : i1 to i32
    %sign3A_22 = arith.subi %sign3A_18, %sign3A_21 : i32
    %ne3A = arith.cmpi ne, %sign3A_15, %sign3A_22 : i32
    %rem3A = arith.remsi %select_n3A_9, %jit3A : i32
    %ne3A_23 = arith.constant 0 : i32
    %ne3A_24 = arith.cmpi ne, %rem3A, %ne3A_23 : i32
    %and3A = arith.andi %ne3A, %ne3A_24 : i1
    %sub3A = arith.constant 1 : i32
    %sub3A_25 = arith.subi %div3A, %sub3A : i32
    %select_n3A_26 = arith.select %and3A, %sub3A_25, %div3A : i32
    %mul3A_27 = arith.constant 8 : i32
    %mul3A_28 = arith.muli %select_n3A_26, %mul3A_27 : i32
    %multiple_of3A = tpu.assume_multiple %mul3A_28, 8 : i32
    %sub3A_29 = arith.subi %select_n3A_9, %multiple_of3A : i32
    %mul3A_30 = arith.constant 640 : i32
    %mul3A_31 = arith.muli %arg1, %mul3A_30 : i32
    %mul3A_32 = arith.constant 640 : i32
    %mul3A_33 = arith.muli %arg1, %mul3A_32 : i32
    "tpu.region"() ({
      %run_scoped3A = tpu.sem_alloc : memref<!tpu.dma_semaphore, #tpu.memory_space<semaphore_mem>>
      %dma_start3A = arith.constant 0 : i32
      %dma_start3A_48 = tpu.memref_slice %arg10[%mul3A_33, %dma_start3A] : memref<10240x128xf32, #tpu.memory_space<vmem_shared>> -> memref<640x128xf32, #tpu.memory_space<vmem_shared>>
      %dma_start3A_49 = arith.constant 0 : i32
      %dma_start3A_50 = tpu.memref_slice %arg5[%mul3A_31, %dma_start3A_49] : memref<10240x128xf32, #tpu.memory_space<hbm>> -> memref<640x128xf32, #tpu.memory_space<hbm>>
      tpu.enqueue_dma source(%dma_start3A_50 : memref<640x128xf32, #tpu.memory_space<hbm>>) target(%dma_start3A_48 : memref<640x128xf32, #tpu.memory_space<vmem_shared>>) target_semaphore(%run_scoped3A : memref<!tpu.dma_semaphore, #tpu.memory_space<semaphore_mem>>)
      %dma_wait3A = arith.constant 0 : i32
      %dma_wait3A_51 = tpu.memref_slice %arg10[%mul3A_33, %dma_wait3A] : memref<10240x128xf32, #tpu.memory_space<vmem_shared>> -> memref<640x128xf32, #tpu.memory_space<vmem_shared>>
      %dma_wait3A_52 = arith.constant 0 : i32
      %dma_wait3A_53 = tpu.memref_slice %arg5[%mul3A_31, %dma_wait3A_52] : memref<10240x128xf32, #tpu.memory_space<hbm>> -> memref<640x128xf32, #tpu.memory_space<hbm>>
      tpu.wait_dma2 semaphore(%run_scoped3A : memref<!tpu.dma_semaphore, #tpu.memory_space<semaphore_mem>>) src(%dma_wait3A_53 : memref<640x128xf32, #tpu.memory_space<hbm>>) dst(%dma_wait3A_51 : memref<640x128xf32, #tpu.memory_space<vmem_shared>>)
      tpu.yield
    }) : () -> ()
    "tpu.region"() ({
      %run_scoped3A = tpu.sem_alloc : memref<!tpu.dma_semaphore, #tpu.memory_space<semaphore_mem>>
      %dma_start3A = arith.constant 0 : i32
      %dma_start3A_48 = tpu.memref_slice %arg3[%multiple_of3A, %dma_start3A] : memref<2560x128xi32, #tpu.memory_space<hbm>> -> memref<88x128xi32, #tpu.memory_space<hbm>>
      %dma_start3A_49 = arith.constant 0 : i32
      %dma_start3A_50 = tpu.memref_slice %arg3[%multiple_of3A, %dma_start3A_49] : memref<2560x128xi32, #tpu.memory_space<hbm>> -> memref<88x128xi32, #tpu.memory_space<hbm>>
      tpu.enqueue_dma source(%dma_start3A_50 : memref<88x128xi32, #tpu.memory_space<hbm>>) target(%arg7 : memref<88x128xi32, #tpu.memory_space<vmem>>) target_semaphore(%run_scoped3A : memref<!tpu.dma_semaphore, #tpu.memory_space<semaphore_mem>>)
      %dma_wait3A = arith.constant 0 : i32
      %dma_wait3A_51 = tpu.memref_slice %arg3[%multiple_of3A, %dma_wait3A] : memref<2560x128xi32, #tpu.memory_space<hbm>> -> memref<88x128xi32, #tpu.memory_space<hbm>>
      %dma_wait3A_52 = arith.constant 0 : i32
      %dma_wait3A_53 = tpu.memref_slice %arg3[%multiple_of3A, %dma_wait3A_52] : memref<2560x128xi32, #tpu.memory_space<hbm>> -> memref<88x128xi32, #tpu.memory_space<hbm>>
      tpu.wait_dma2 semaphore(%run_scoped3A : memref<!tpu.dma_semaphore, #tpu.memory_space<semaphore_mem>>) src(%dma_wait3A_53 : memref<88x128xi32, #tpu.memory_space<hbm>>) dst(%arg7 : memref<88x128xi32, #tpu.memory_space<vmem>>)
      tpu.yield
    }) : () -> ()
    "tpu.region"() ({
      %run_scoped3A = tpu.sem_alloc : memref<!tpu.dma_semaphore, #tpu.memory_space<semaphore_mem>>
      %dma_start3A = arith.constant 0 : i32
      %dma_start3A_48 = tpu.memref_slice %arg4[%multiple_of3A, %dma_start3A] : memref<2560x128xi32, #tpu.memory_space<hbm>> -> memref<88x128xi32, #tpu.memory_space<hbm>>
      %dma_start3A_49 = arith.constant 0 : i32
      %dma_start3A_50 = tpu.memref_slice %arg4[%multiple_of3A, %dma_start3A_49] : memref<2560x128xi32, #tpu.memory_space<hbm>> -> memref<88x128xi32, #tpu.memory_space<hbm>>
      tpu.enqueue_dma source(%dma_start3A_50 : memref<88x128xi32, #tpu.memory_space<hbm>>) target(%arg8 : memref<88x128xi32, #tpu.memory_space<vmem>>) target_semaphore(%run_scoped3A : memref<!tpu.dma_semaphore, #tpu.memory_space<semaphore_mem>>)
      %dma_wait3A = arith.constant 0 : i32
      %dma_wait3A_51 = tpu.memref_slice %arg4[%multiple_of3A, %dma_wait3A] : memref<2560x128xi32, #tpu.memory_space<hbm>> -> memref<88x128xi32, #tpu.memory_space<hbm>>
      %dma_wait3A_52 = arith.constant 0 : i32
      %dma_wait3A_53 = tpu.memref_slice %arg4[%multiple_of3A, %dma_wait3A_52] : memref<2560x128xi32, #tpu.memory_space<hbm>> -> memref<88x128xi32, #tpu.memory_space<hbm>>
      tpu.wait_dma2 semaphore(%run_scoped3A : memref<!tpu.dma_semaphore, #tpu.memory_space<semaphore_mem>>) src(%dma_wait3A_53 : memref<88x128xi32, #tpu.memory_space<hbm>>) dst(%arg8 : memref<88x128xi32, #tpu.memory_space<vmem>>)
      tpu.yield
    }) : () -> ()
    %barrier3A = arith.constant 0 : index
    tpu.barrier barrier_id(%barrier3A)
    %while3A = arith.constant 0 : i32
    %while3A_34 = arith.constant 0 : i32
    %while3A_35 = arith.subi %select_n3A_2, %while3A_34 : i32
    %while3A_36 = arith.addi %while3A_34, %while3A_35 : i32
    %while3A_37 = arith.constant 1 : i32
    %while3A_38 = arith.divsi %while3A_35, %while3A_37 : i32
    %while3A_39 = arith.muli %while3A_38, %while3A_37 : i32
    %while3A_40 = arith.addi %while3A_34, %while3A_39 : i32
    %while3A_41 = arith.constant 1 : i32
    scf.for %while3A_48 = %while3A_34 to %while3A_40 step %while3A_41  : i32 {
      %add3A_49 = arith.addi %while3A_48, %sub3A_29 : i32
      %dma_start3A = arith.constant 0 : i32
      %dma_start3A_50 = tpu.memref_slice %arg7[%add3A_49, %dma_start3A] : memref<88x128xi32, #tpu.memory_space<vmem>> -> memref<1x128xi32, #tpu.memory_space<vmem>>
      %dma_start3A_51 = tpu.memref_squeeze %dma_start3A_50 : memref<1x128xi32, #tpu.memory_space<vmem>> -> memref<128xi32, #tpu.memory_space<vmem>>
      %dma_start3A_52 = arith.constant 0 : i32
      %dma_start3A_53 = arith.constant 0 : i32
      %dma_start3A_54 = tpu.memref_slice %arg2[%dma_start3A_52, %dma_start3A_53] : memref<10000x128xf32, #tpu.memory_space<hbm>> -> memref<10000x128xf32, #tpu.memory_space<hbm>>
      tpu.enqueue_indirect_dma source(%dma_start3A_54 : memref<10000x128xf32, #tpu.memory_space<hbm>>) target(%arg9 : memref<128x128xf32, #tpu.memory_space<vmem>>) offsets(%dma_start3A_51 : memref<128xi32, #tpu.memory_space<vmem>>) semaphore(%arg11 : memref<!tpu.dma_semaphore, #tpu.memory_space<semaphore_mem>>)
      %dma_wait3A = arith.constant 0 : i32
      %dma_wait3A_55 = tpu.memref_slice %arg7[%add3A_49, %dma_wait3A] : memref<88x128xi32, #tpu.memory_space<vmem>> -> memref<1x128xi32, #tpu.memory_space<vmem>>
      %dma_wait3A_56 = tpu.memref_squeeze %dma_wait3A_55 : memref<1x128xi32, #tpu.memory_space<vmem>> -> memref<128xi32, #tpu.memory_space<vmem>>
      %dma_wait3A_57 = arith.constant 0 : i32
      %dma_wait3A_58 = arith.constant 0 : i32
      %dma_wait3A_59 = tpu.memref_slice %arg2[%dma_wait3A_57, %dma_wait3A_58] : memref<10000x128xf32, #tpu.memory_space<hbm>> -> memref<10000x128xf32, #tpu.memory_space<hbm>>
      tpu.wait_indirect_dma semaphore(%arg11 : memref<!tpu.dma_semaphore, #tpu.memory_space<semaphore_mem>>) src(%dma_wait3A_59 : memref<10000x128xf32, #tpu.memory_space<hbm>>) dst(%arg9 : memref<128x128xf32, #tpu.memory_space<vmem>>)
      %add3A_60 = arith.addi %while3A_48, %sub3A_29 : i32
      "tpu.region"() ({
        %run_scoped3A = tpu.sem_alloc : memref<!tpu.dma_semaphore, #tpu.memory_space<semaphore_mem>>
        %dma_start3A_61 = arith.constant 0 : i32
        %dma_start3A_62 = tpu.memref_slice %arg8[%add3A_60, %dma_start3A_61] : memref<88x128xi32, #tpu.memory_space<vmem>> -> memref<1x128xi32, #tpu.memory_space<vmem>>
        %dma_start3A_63 = tpu.memref_squeeze %dma_start3A_62 : memref<1x128xi32, #tpu.memory_space<vmem>> -> memref<128xi32, #tpu.memory_space<vmem>>
        %dma_start3A_64 = arith.constant 0 : i32
        %dma_start3A_65 = arith.constant 0 : i32
        %dma_start3A_66 = tpu.memref_slice %arg10[%dma_start3A_64, %dma_start3A_65] : memref<10240x128xf32, #tpu.memory_space<vmem_shared>> -> memref<10240x128xf32, #tpu.memory_space<vmem_shared>>
        tpu.enqueue_indirect_dma source(%arg9 : memref<128x128xf32, #tpu.memory_space<vmem>>) target(%dma_start3A_66 : memref<10240x128xf32, #tpu.memory_space<vmem_shared>>) offsets(%dma_start3A_63 : memref<128xi32, #tpu.memory_space<vmem>>) semaphore(%run_scoped3A : memref<!tpu.dma_semaphore, #tpu.memory_space<semaphore_mem>>) {add = true}
        %dma_wait3A_67 = arith.constant 0 : i32
        %dma_wait3A_68 = tpu.memref_slice %arg8[%add3A_60, %dma_wait3A_67] : memref<88x128xi32, #tpu.memory_space<vmem>> -> memref<1x128xi32, #tpu.memory_space<vmem>>
        %dma_wait3A_69 = tpu.memref_squeeze %dma_wait3A_68 : memref<1x128xi32, #tpu.memory_space<vmem>> -> memref<128xi32, #tpu.memory_space<vmem>>
        %dma_wait3A_70 = arith.constant 0 : i32
        %dma_wait3A_71 = arith.constant 0 : i32
        %dma_wait3A_72 = tpu.memref_slice %arg10[%dma_wait3A_70, %dma_wait3A_71] : memref<10240x128xf32, #tpu.memory_space<vmem_shared>> -> memref<10240x128xf32, #tpu.memory_space<vmem_shared>>
        tpu.wait_indirect_dma semaphore(%run_scoped3A : memref<!tpu.dma_semaphore, #tpu.memory_space<semaphore_mem>>) src(%arg9 : memref<128x128xf32, #tpu.memory_space<vmem>>) dst(%dma_wait3A_72 : memref<10240x128xf32, #tpu.memory_space<vmem_shared>>)
        tpu.yield
      }) : () -> ()
    }
    %while3A_42 = arith.constant 1 : i32
    scf.for %while3A_48 = %while3A_40 to %while3A_36 step %while3A_42  : i32 {
      %add3A_49 = arith.addi %while3A_48, %sub3A_29 : i32
      %dma_start3A = arith.constant 0 : i32
      %dma_start3A_50 = tpu.memref_slice %arg7[%add3A_49, %dma_start3A] : memref<88x128xi32, #tpu.memory_space<vmem>> -> memref<1x128xi32, #tpu.memory_space<vmem>>
      %dma_start3A_51 = tpu.memref_squeeze %dma_start3A_50 : memref<1x128xi32, #tpu.memory_space<vmem>> -> memref<128xi32, #tpu.memory_space<vmem>>
      %dma_start3A_52 = arith.constant 0 : i32
      %dma_start3A_53 = arith.constant 0 : i32
      %dma_start3A_54 = tpu.memref_slice %arg2[%dma_start3A_52, %dma_start3A_53] : memref<10000x128xf32, #tpu.memory_space<hbm>> -> memref<10000x128xf32, #tpu.memory_space<hbm>>
      tpu.enqueue_indirect_dma source(%dma_start3A_54 : memref<10000x128xf32, #tpu.memory_space<hbm>>) target(%arg9 : memref<128x128xf32, #tpu.memory_space<vmem>>) offsets(%dma_start3A_51 : memref<128xi32, #tpu.memory_space<vmem>>) semaphore(%arg11 : memref<!tpu.dma_semaphore, #tpu.memory_space<semaphore_mem>>)
      %dma_wait3A = arith.constant 0 : i32
      %dma_wait3A_55 = tpu.memref_slice %arg7[%add3A_49, %dma_wait3A] : memref<88x128xi32, #tpu.memory_space<vmem>> -> memref<1x128xi32, #tpu.memory_space<vmem>>
      %dma_wait3A_56 = tpu.memref_squeeze %dma_wait3A_55 : memref<1x128xi32, #tpu.memory_space<vmem>> -> memref<128xi32, #tpu.memory_space<vmem>>
      %dma_wait3A_57 = arith.constant 0 : i32
      %dma_wait3A_58 = arith.constant 0 : i32
      %dma_wait3A_59 = tpu.memref_slice %arg2[%dma_wait3A_57, %dma_wait3A_58] : memref<10000x128xf32, #tpu.memory_space<hbm>> -> memref<10000x128xf32, #tpu.memory_space<hbm>>
      tpu.wait_indirect_dma semaphore(%arg11 : memref<!tpu.dma_semaphore, #tpu.memory_space<semaphore_mem>>) src(%dma_wait3A_59 : memref<10000x128xf32, #tpu.memory_space<hbm>>) dst(%arg9 : memref<128x128xf32, #tpu.memory_space<vmem>>)
      %add3A_60 = arith.addi %while3A_48, %sub3A_29 : i32
      "tpu.region"() ({
        %run_scoped3A = tpu.sem_alloc : memref<!tpu.dma_semaphore, #tpu.memory_space<semaphore_mem>>
        %dma_start3A_61 = arith.constant 0 : i32
        %dma_start3A_62 = tpu.memref_slice %arg8[%add3A_60, %dma_start3A_61] : memref<88x128xi32, #tpu.memory_space<vmem>> -> memref<1x128xi32, #tpu.memory_space<vmem>>
        %dma_start3A_63 = tpu.memref_squeeze %dma_start3A_62 : memref<1x128xi32, #tpu.memory_space<vmem>> -> memref<128xi32, #tpu.memory_space<vmem>>
        %dma_start3A_64 = arith.constant 0 : i32
        %dma_start3A_65 = arith.constant 0 : i32
        %dma_start3A_66 = tpu.memref_slice %arg10[%dma_start3A_64, %dma_start3A_65] : memref<10240x128xf32, #tpu.memory_space<vmem_shared>> -> memref<10240x128xf32, #tpu.memory_space<vmem_shared>>
        tpu.enqueue_indirect_dma source(%arg9 : memref<128x128xf32, #tpu.memory_space<vmem>>) target(%dma_start3A_66 : memref<10240x128xf32, #tpu.memory_space<vmem_shared>>) offsets(%dma_start3A_63 : memref<128xi32, #tpu.memory_space<vmem>>) semaphore(%run_scoped3A : memref<!tpu.dma_semaphore, #tpu.memory_space<semaphore_mem>>) {add = true}
        %dma_wait3A_67 = arith.constant 0 : i32
        %dma_wait3A_68 = tpu.memref_slice %arg8[%add3A_60, %dma_wait3A_67] : memref<88x128xi32, #tpu.memory_space<vmem>> -> memref<1x128xi32, #tpu.memory_space<vmem>>
        %dma_wait3A_69 = tpu.memref_squeeze %dma_wait3A_68 : memref<1x128xi32, #tpu.memory_space<vmem>> -> memref<128xi32, #tpu.memory_space<vmem>>
        %dma_wait3A_70 = arith.constant 0 : i32
        %dma_wait3A_71 = arith.constant 0 : i32
        %dma_wait3A_72 = tpu.memref_slice %arg10[%dma_wait3A_70, %dma_wait3A_71] : memref<10240x128xf32, #tpu.memory_space<vmem_shared>> -> memref<10240x128xf32, #tpu.memory_space<vmem_shared>>
        tpu.wait_indirect_dma semaphore(%run_scoped3A : memref<!tpu.dma_semaphore, #tpu.memory_space<semaphore_mem>>) src(%arg9 : memref<128x128xf32, #tpu.memory_space<vmem>>) dst(%dma_wait3A_72 : memref<10240x128xf32, #tpu.memory_space<vmem_shared>>)
        tpu.yield
      }) : () -> ()
    }
    %barrier3A_43 = arith.constant 0 : index
    tpu.barrier barrier_id(%barrier3A_43)
    %mul3A_44 = arith.constant 640 : i32
    %mul3A_45 = arith.muli %arg1, %mul3A_44 : i32
    %mul3A_46 = arith.constant 640 : i32
    %mul3A_47 = arith.muli %arg1, %mul3A_46 : i32
    "tpu.region"() ({
      %run_scoped3A = tpu.sem_alloc : memref<!tpu.dma_semaphore, #tpu.memory_space<semaphore_mem>>
      %dma_start3A = arith.constant 0 : i32
      %dma_start3A_48 = tpu.memref_slice %arg6[%arg0, %mul3A_47, %dma_start3A] : memref<2x10240x128xf32, #tpu.memory_space<hbm>> -> memref<1x640x128xf32, #tpu.memory_space<hbm>>
      %dma_start3A_49 = tpu.memref_squeeze %dma_start3A_48 : memref<1x640x128xf32, #tpu.memory_space<hbm>> -> memref<640x128xf32, #tpu.memory_space<hbm>>
      %dma_start3A_50 = arith.constant 0 : i32
      %dma_start3A_51 = tpu.memref_slice %arg10[%mul3A_45, %dma_start3A_50] : memref<10240x128xf32, #tpu.memory_space<vmem_shared>> -> memref<640x128xf32, #tpu.memory_space<vmem_shared>>
      tpu.enqueue_dma source(%dma_start3A_51 : memref<640x128xf32, #tpu.memory_space<vmem_shared>>) target(%dma_start3A_49 : memref<640x128xf32, #tpu.memory_space<hbm>>) target_semaphore(%run_scoped3A : memref<!tpu.dma_semaphore, #tpu.memory_space<semaphore_mem>>)
      %dma_wait3A = arith.constant 0 : i32
      %dma_wait3A_52 = tpu.memref_slice %arg6[%arg0, %mul3A_47, %dma_wait3A] : memref<2x10240x128xf32, #tpu.memory_space<hbm>> -> memref<1x640x128xf32, #tpu.memory_space<hbm>>
      %dma_wait3A_53 = tpu.memref_squeeze %dma_wait3A_52 : memref<1x640x128xf32, #tpu.memory_space<hbm>> -> memref<640x128xf32, #tpu.memory_space<hbm>>
      %dma_wait3A_54 = arith.constant 0 : i32
      %dma_wait3A_55 = tpu.memref_slice %arg10[%mul3A_45, %dma_wait3A_54] : memref<10240x128xf32, #tpu.memory_space<vmem_shared>> -> memref<640x128xf32, #tpu.memory_space<vmem_shared>>
      tpu.wait_dma2 semaphore(%run_scoped3A : memref<!tpu.dma_semaphore, #tpu.memory_space<semaphore_mem>>) src(%dma_wait3A_55 : memref<640x128xf32, #tpu.memory_space<vmem_shared>>) dst(%dma_wait3A_53 : memref<640x128xf32, #tpu.memory_space<hbm>>)
      tpu.yield
    }) : () -> ()
    return
  }
}

module attributes {stable_mosaic.version = 14 : i64} {
  func.func @_mm_body(%arg0: i32, %arg1: memref<2000x128xf32, #tpu.memory_space<vmem>>, %arg2: memref<128x128xf32, #tpu.memory_space<vmem>>, %arg3: memref<1x2000x16xf32, #tpu.memory_space<vmem>>, %arg4: memref<1x2000x16xf32, #tpu.memory_space<vmem>>, %arg5: memref<2000x128xf32, #tpu.memory_space<vmem>>) attributes {dimension_semantics = [#tpu.dimension_semantics<arbitrary>], iteration_bounds = array<i64: 5>, scalar_prefetch = 0 : i64, scratch_operands = 0 : i64, tpu.core_type = #tpu.core_type<tc>, window_params = [{transform_indices = @transform_0, window_bounds = array<i64: 2000, 128>}, {pipeline_mode = #tpu.pipeline_mode<synchronous>, transform_indices = @transform_1, window_bounds = array<i64: 128, 128>}, {transform_indices = @transform_2, window_bounds = array<i64: 1, 2000, 16>}, {transform_indices = @transform_3, window_bounds = array<i64: 1, 2000, 16>}, {transform_indices = @transform_4, window_bounds = array<i64: 2000, 128>}]} {
    %get3A = arith.constant 0 : index
    %get3A_0 = arith.constant 0 : index
    %get3A_1 = arith.constant 0 : index
    %get3A_2 = vector.load %arg3[%get3A, %get3A_0, %get3A_1] : memref<1x2000x16xf32, #tpu.memory_space<vmem>>, vector<1x2000x1xf32>
    %get3A_3 = vector.shape_cast %get3A_2 : vector<1x2000x1xf32> to vector<2000x1xf32>
    %get3A_4 = arith.constant 0 : index
    %get3A_5 = arith.constant 0 : index
    %get3A_6 = arith.constant 0 : index
    %get3A_7 = vector.load %arg4[%get3A_4, %get3A_5, %get3A_6] : memref<1x2000x16xf32, #tpu.memory_space<vmem>>, vector<1x2000x1xf32>
    %get3A_8 = vector.shape_cast %get3A_7 : vector<1x2000x1xf32> to vector<2000x1xf32>
    %add3A = arith.addf %get3A_3, %get3A_8 : vector<2000x1xf32>
    %add3A_9 = arith.constant 1.000000e+00 : f32
    %add3A_10 = vector.broadcast %add3A_9 : f32 to vector<2000x1xf32>
    %add3A_11 = arith.addf %add3A, %add3A_10 : vector<2000x1xf32>
    %rsqrt3A = math.rsqrt %add3A_11 : vector<2000x1xf32>
    %get3A_12 = arith.constant 0 : index
    %get3A_13 = arith.constant 0 : index
    %get3A_14 = vector.load %arg1[%get3A_12, %get3A_13] : memref<2000x128xf32, #tpu.memory_space<vmem>>, vector<2000x128xf32>
    %get3A_15 = arith.constant 0 : index
    %get3A_16 = arith.constant 0 : index
    %get3A_17 = vector.load %arg2[%get3A_15, %get3A_16] : memref<128x128xf32, #tpu.memory_space<vmem>>, vector<128x128xf32>
    %dot_general3A = arith.constant dense<0.000000e+00> : vector<2000x128xf32>
    %dot_general3A_18 = tpu.matmul %get3A_14, %get3A_17, %dot_general3A {dimension_numbers = #tpu.dot_dimension_numbers<[1], [0], [0], [1], [0, 0, 1, 1], [], []>, transpose_lhs_hint = false} : vector<2000x128xf32>, vector<128x128xf32>, vector<2000x128xf32> -> vector<2000x128xf32>
    %mul3A = vector.broadcast %rsqrt3A : vector<2000x1xf32> to vector<2000x128xf32>
    %mul3A_19 = arith.mulf %dot_general3A_18, %mul3A : vector<2000x128xf32>
    %swap3A = arith.constant 0 : index
    %swap3A_20 = arith.constant 0 : index
    %swap3A_21 = vector.load %arg5[%swap3A, %swap3A_20] : memref<2000x128xf32, #tpu.memory_space<vmem>>, vector<2000x128xf32>
    tpu.vector_store %arg5[%swap3A, %swap3A_20], %mul3A_19 {strides = array<i32>} : memref<2000x128xf32, #tpu.memory_space<vmem>>, vector<2000x128xf32>,
    return
  }
  func.func @transform_0(%arg0: i32) -> (i32, i32) {
    %c0_i32 = arith.constant 0 : i32
    %c0_i32_0 = arith.constant 0 : i32
    return %arg0, %c0_i32 : i32, i32
  }
  func.func @transform_1(%arg0: i32) -> (i32, i32) {
    %c0_i32 = arith.constant 0 : i32
    %c0_i32_0 = arith.constant 0 : i32
    %c0_i32_1 = arith.constant 0 : i32
    return %c0_i32, %c0_i32_0 : i32, i32
  }
  func.func @transform_2(%arg0: i32) -> (i32, i32, i32) {
    %c0_i32 = arith.constant 0 : i32
    %c0_i32_0 = arith.constant 0 : i32
    %c0_i32_1 = arith.constant 0 : i32
    return %c0_i32, %arg0, %c0_i32_0 : i32, i32, i32
  }
  func.func @transform_3(%arg0: i32) -> (i32, i32, i32) {
    %c1_i32 = arith.constant 1 : i32
    %c0_i32 = arith.constant 0 : i32
    %c0_i32_0 = arith.constant 0 : i32
    return %c1_i32, %arg0, %c0_i32 : i32, i32, i32
  }
  func.func @transform_4(%arg0: i32) -> (i32, i32) {
    %c0_i32 = arith.constant 0 : i32
    %c0_i32_0 = arith.constant 0 : i32
    return %arg0, %c0_i32 : i32, i32
  }
}

module attributes {stable_mosaic.version = 14 : i64} {
  func.func @_final_body(%arg0: i32, %arg1: memref<1x2000x128xf32, #tpu.memory_space<vmem>>, %arg2: memref<1x2000x128xf32, #tpu.memory_space<vmem>>, %arg3: memref<2000x128xf32, #tpu.memory_space<vmem>>, %arg4: memref<1x2000x16xf32, #tpu.memory_space<vmem>>, %arg5: memref<1x2000x16xf32, #tpu.memory_space<vmem>>, %arg6: memref<1x128xf32, #tpu.memory_space<vmem>>, %arg7: memref<2000x128xf32, #tpu.memory_space<vmem>>) attributes {dimension_semantics = [#tpu.dimension_semantics<arbitrary>], iteration_bounds = array<i64: 5>, scalar_prefetch = 0 : i64, scratch_operands = 0 : i64, tpu.core_type = #tpu.core_type<tc>, window_params = [{transform_indices = @transform_0, window_bounds = array<i64: 1, 2000, 128>}, {transform_indices = @transform_1, window_bounds = array<i64: 1, 2000, 128>}, {transform_indices = @transform_2, window_bounds = array<i64: 2000, 128>}, {transform_indices = @transform_3, window_bounds = array<i64: 1, 2000, 16>}, {transform_indices = @transform_4, window_bounds = array<i64: 1, 2000, 16>}, {pipeline_mode = #tpu.pipeline_mode<synchronous>, transform_indices = @transform_5, window_bounds = array<i64: 1, 128>}, {transform_indices = @transform_6, window_bounds = array<i64: 2000, 128>}]} {
    %get3A = arith.constant 0 : index
    %get3A_0 = arith.constant 0 : index
    %get3A_1 = arith.constant 0 : index
    %get3A_2 = vector.load %arg4[%get3A, %get3A_0, %get3A_1] : memref<1x2000x16xf32, #tpu.memory_space<vmem>>, vector<1x2000x1xf32>
    %get3A_3 = vector.shape_cast %get3A_2 : vector<1x2000x1xf32> to vector<2000x1xf32>
    %get3A_4 = arith.constant 0 : index
    %get3A_5 = arith.constant 0 : index
    %get3A_6 = arith.constant 0 : index
    %get3A_7 = vector.load %arg5[%get3A_4, %get3A_5, %get3A_6] : memref<1x2000x16xf32, #tpu.memory_space<vmem>>, vector<1x2000x1xf32>
    %get3A_8 = vector.shape_cast %get3A_7 : vector<1x2000x1xf32> to vector<2000x1xf32>
    %add3A = arith.addf %get3A_3, %get3A_8 : vector<2000x1xf32>
    %add3A_9 = arith.constant 1.000000e+00 : f32
    %add3A_10 = vector.broadcast %add3A_9 : f32 to vector<2000x1xf32>
    %add3A_11 = arith.addf %add3A, %add3A_10 : vector<2000x1xf32>
    %rsqrt3A = math.rsqrt %add3A_11 : vector<2000x1xf32>
    %get3A_12 = arith.constant 0 : index
    %get3A_13 = arith.constant 0 : index
    %get3A_14 = arith.constant 0 : index
    %get3A_15 = vector.load %arg1[%get3A_12, %get3A_13, %get3A_14] : memref<1x2000x128xf32, #tpu.memory_space<vmem>>, vector<1x2000x128xf32>
    %get3A_16 = vector.shape_cast %get3A_15 : vector<1x2000x128xf32> to vector<2000x128xf32>
    %get3A_17 = arith.constant 0 : index
    %get3A_18 = arith.constant 0 : index
    %get3A_19 = arith.constant 0 : index
    %get3A_20 = vector.load %arg2[%get3A_17, %get3A_18, %get3A_19] : memref<1x2000x128xf32, #tpu.memory_space<vmem>>, vector<1x2000x128xf32>
    %get3A_21 = vector.shape_cast %get3A_20 : vector<1x2000x128xf32> to vector<2000x128xf32>
    %add3A_22 = arith.addf %get3A_16, %get3A_21 : vector<2000x128xf32>
    %get3A_23 = arith.constant 0 : index
    %get3A_24 = arith.constant 0 : index
    %get3A_25 = vector.load %arg3[%get3A_23, %get3A_24] : memref<2000x128xf32, #tpu.memory_space<vmem>>, vector<2000x128xf32>
    %add3A_26 = arith.addf %add3A_22, %get3A_25 : vector<2000x128xf32>
    %mul3A = vector.broadcast %rsqrt3A : vector<2000x1xf32> to vector<2000x128xf32>
    %mul3A_27 = arith.mulf %mul3A, %add3A_26 : vector<2000x128xf32>
    %get3A_28 = arith.constant 0 : index
    %get3A_29 = arith.constant 0 : index
    %get3A_30 = vector.load %arg6[%get3A_28, %get3A_29] : memref<1x128xf32, #tpu.memory_space<vmem>>, vector<1x128xf32>
    %add3A_31 = vector.broadcast %get3A_30 : vector<1x128xf32> to vector<2000x128xf32>
    %add3A_32 = arith.addf %mul3A_27, %add3A_31 : vector<2000x128xf32>
    %max3A = arith.constant 0.000000e+00 : f32
    %max3A_33 = vector.broadcast %max3A : f32 to vector<2000x128xf32>
    %max3A_34 = arith.maximumf %add3A_32, %max3A_33 : vector<2000x128xf32>
    %swap3A = arith.constant 0 : index
    %swap3A_35 = arith.constant 0 : index
    %swap3A_36 = vector.load %arg7[%swap3A, %swap3A_35] : memref<2000x128xf32, #tpu.memory_space<vmem>>, vector<2000x128xf32>
    tpu.vector_store %arg7[%swap3A, %swap3A_35], %max3A_34 {strides = array<i32>} : memref<2000x128xf32, #tpu.memory_space<vmem>>, vector<2000x128xf32>,
    return
  }
  func.func @transform_0(%arg0: i32) -> (i32, i32, i32) {
    %c0_i32 = arith.constant 0 : i32
    %c0_i32_0 = arith.constant 0 : i32
    %c0_i32_1 = arith.constant 0 : i32
    return %c0_i32, %arg0, %c0_i32_0 : i32, i32, i32
  }
  func.func @transform_1(%arg0: i32) -> (i32, i32, i32) {
    %c1_i32 = arith.constant 1 : i32
    %c0_i32 = arith.constant 0 : i32
    %c0_i32_0 = arith.constant 0 : i32
    return %c1_i32, %arg0, %c0_i32 : i32, i32, i32
  }
  func.func @transform_2(%arg0: i32) -> (i32, i32) {
    %c0_i32 = arith.constant 0 : i32
    %c0_i32_0 = arith.constant 0 : i32
    return %arg0, %c0_i32 : i32, i32
  }
  func.func @transform_3(%arg0: i32) -> (i32, i32, i32) {
    %c0_i32 = arith.constant 0 : i32
    %c0_i32_0 = arith.constant 0 : i32
    %c0_i32_1 = arith.constant 0 : i32
    return %c0_i32, %arg0, %c0_i32_0 : i32, i32, i32
  }
  func.func @transform_4(%arg0: i32) -> (i32, i32, i32) {
    %c1_i32 = arith.constant 1 : i32
    %c0_i32 = arith.constant 0 : i32
    %c0_i32_0 = arith.constant 0 : i32
    return %c1_i32, %arg0, %c0_i32 : i32, i32, i32
  }
  func.func @transform_5(%arg0: i32) -> (i32, i32) {
    %c0_i32 = arith.constant 0 : i32
    %c0_i32_0 = arith.constant 0 : i32
    %c0_i32_1 = arith.constant 0 : i32
    return %c0_i32, %c0_i32_0 : i32, i32
  }
  func.func @transform_6(%arg0: i32) -> (i32, i32) {
    %c0_i32 = arith.constant 0 : i32
    %c0_i32_0 = arith.constant 0 : i32
    return %arg0, %c0_i32 : i32, i32
  }
}

</mosaic_0001>

<sc_bundles>
// kernel: kernel.6.cloned.1.call-start
scs
__scs_entry_jumppad:
0x0: {  	(pc) =	sbr.rel $0x88, $3  }
0x1: {  	(tag) =	ssettag $0x0;
	lr =	simm.s32 $0x1  }
0x2: {  	[smem:$0x3F9D] =	sst lr;
	_ =	strace $0xD0000000  }
0x3: {  	_ = 	snop  }
0x4: {  	_ = 	snop  }
0x5: {  	_ = 	snop  }
0x6: {  	_ = 	snop  }
0x7: {  	_ = 	snop  }
__scs_overlays_trampoline_lowered:
0x8: {  	[smem:$0x3FAC] =	sst s0  }
0x9: {  	[smem:$0x3FAD] =	sst s1  }
0xa: {  	[smem:$0x3FAE] =	sst s2  }
0xb: {  	[smem:$0x3FAF] =	sst s3  }
0xc: {  	[smem:$0x3FB0] =	sst s4  }
0xd: {  	[smem:$0x3FB1] =	sst s5  }
0xe: {  	[smem:$0x3FB2] =	sst s6  }
0xf: {  	[smem:$0x3FB3] =	sst s7  }
0x10: {  	[smem:$0x3FB4] =	sst s8  }
0x11: {  	[smem:$0x3FB5] =	sst s9;
	s0 =	simm.s32 @!p0 $0x0  }
0x12: {  	s1 =	sld [smem:$0x3F9B];
	s0 =	simm.s32 @p0 $0x1  }
0x13: {  	[smem:$0x3FB6] =	sst s0;
	s0 =	simm.s32 @!p1 $0x0  }
0x14: {  	s2 =	sld [smem:$0x3F9A];
	s0 =	simm.s32 @p1 $0x1  }
0x15: {  	[smem:$0x3FB7] =	sst s0;
	s0 =	simm.s32 @!p2 $0x0  }
0x16: {  	s3 =	sld [smem:$0x3FDB];
	s0 =	simm.s32 @p2 $0x1  }
0x17: {  	s4 =	simm.s32 $0x1BF5;
	[smem:$0x3FB9] =	sst s0  }
0x18: {  	s0 =	sld [smem:$0x3F9C];
	_ =	swait.ge [sflag:s4], $0x0  }
0x19: {  	s7 =	sld [smem:$0x3F9D]  }
0x1a: {  	s8 =	sadd.s32 $0xFFFFE003, lr  }
0x1b: {  	s9 =	sadd.s32 $0xFFFFFEF7, lr;
	s5 =	simm.s32 $0xFFFFFFFF;
	p2 =	slt.u32 s8, $0xFFFFF086  }
0x1c: {  	p1 =	slt.u32 s9, $0xF7A;
	s5 =	simm.s32 @!p2 $0x0  }
0x1d: {  	s5 =	simm.s32 @p1 $0x1;
	p0 =	seq.s32 s7, s2  }
0x1e: {  	s7 =	smul.u32 @!p0 $0xF7A, s2;
	p2 =	seq.s32 @!p0 s5, $0x0  }
0x1f: {  	s9 =	smul.u32 $0xF7A, s1;
	s8 =	simm.s32 @!p0 $0x1BF5;
	p2 =	por !p2, p0  }
0x20: {  	[sflag:s8] =	ssyncset.s32 @!p0 $0xFFFFF086;
	s6 =	sadd.s32 @!p0 s3, s7;
	s7 =	simm.s32 @!p0 $0x108  }
0x21: {  	s3 =	sadd.s32 s3, s9;
	s6 =	sadd.s32 @!p0 $0x88, s6;
	s7 =	simm.s32 @p2 $0x1082  }
0x22: {  	[simem:s7], [sflag:s8] =	dma.local @!p0 [hbm:s6], $0xF7A  }
0x23: {  	s9 =	sor.u32 $0xD0000000, s2;
	s6 =	simm.s32 $0x108;
	_ =	swait.ge @!p0 [sflag:s8], $0x0  }
0x24: {  	s3 =	sadd.s32 $0x88, s3;
	s6 =	simm.s32 @!p1 $0x1082;
	[sflag:s4] =	ssyncset.s32 $0xFFFFF086  }
0x25: {  	[simem:s6], [sflag:s4] =	dma.local [hbm:s3], $0xF7A  }
0x26: {  	[smem:$0x3F9D] =	sst s1;
	(tag) =	ssettag s2;
	_ =	strace s9  }
0x27: {  	s1 =	sld [smem:$0x3FAD]  }
0x28: {  	s2 =	sld [smem:$0x3FAE]  }
0x29: {  	s4 =	sld [smem:$0x3FB0]  }
0x2a: {  	p0 =	seq.s32 s5, $0x0;
	s5 =	sld [smem:$0x3FB1]  }
0x2b: {  	s6 =	sld [smem:$0x3FB2]  }
0x2c: {  	s7 =	sld [smem:$0x3FB3]  }
0x2d: {  	s3 =	simm.s32 $0x108;
	s8 =	sld [smem:$0x3FB4]  }
0x2e: {  	s3 =	simm.s32 @!p0 $0x1082;
	s9 =	sld [smem:$0x3FB5]  }
0x2f: {  	lr =	sadd.s32 s0, s3;
	s0 =	sld [smem:$0x3FAC]  }
0x30: {  	s3 =	sld [smem:$0x3FAF]  }
0x31: {  	[smem:$0x3FB8] =	sst s10  }
0x32: {  	s10 =	sld [smem:$0x3FB6];
	_ =	sdelay $0x3  }
0x33: {  	p0 =	seq.s32 s10, $0x1;
	s10 =	sld [smem:$0x3FB8];
	_ =	sdelay $0x3  }
0x34: {  	[smem:$0x3FB8] =	sst s10  }
0x35: {  	s10 =	sld [smem:$0x3FB7];
	_ =	sdelay $0x3  }
0x36: {  	p1 =	seq.s32 s10, $0x1;
	s10 =	sld [smem:$0x3FB8];
	_ =	sdelay $0x3  }
0x37: {  	[smem:$0x3FB8] =	sst s10  }
0x38: {  	s10 =	sld [smem:$0x3FB9]  }
0x39: {  	_ = 	snop;
	(pc) =	sbr.ind lr, $3  }
0x3a: {  	_ = 	snop  }
0x3b: {  	_ = 	snop  }
0x3c: {  	p2 =	seq.s32 s10, $0x1;
	s10 =	sld [smem:$0x3FB8]  }
0x3d: {  	_ =	shalt  }
0x3e: {  	_ =	shalt  }
0x3f: {  	_ =	shalt  }
0x40: {  	_ =	shalt  }
0x41: {  	_ =	shalt  }
0x42: {  	_ =	shalt  }
0x43: {  	_ =	shalt  }
0x44: {  	_ =	shalt  }
0x45: {  	_ =	shalt  }
0x46: {  	_ =	shalt  }
0x47: {  	_ =	shalt  }
0x48: {  	_ =	shalt  }
0x49: {  	_ =	shalt  }
0x4a: {  	_ =	shalt  }
0x4b: {  	_ =	shalt  }
0x4c: {  	_ =	shalt  }
0x4d: {  	_ =	shalt  }
0x4e: {  	_ =	shalt  }
0x4f: {  	_ =	shalt  }
0x50: {  	_ =	shalt  }
0x51: {  	_ =	shalt  }
0x52: {  	_ =	shalt  }
0x53: {  	_ =	shalt  }
0x54: {  	_ =	shalt  }
0x55: {  	_ =	shalt  }
0x56: {  	_ =	shalt  }
0x57: {  	_ =	shalt  }
0x58: {  	_ =	shalt  }
0x59: {  	_ =	shalt  }
0x5a: {  	_ =	shalt  }
0x5b: {  	_ =	shalt  }
0x5c: {  	_ =	shalt  }
0x5d: {  	_ =	shalt  }
0x5e: {  	_ =	shalt  }
0x5f: {  	_ =	shalt  }
0x60: {  	_ =	shalt  }
0x61: {  	_ =	shalt  }
0x62: {  	_ =	shalt  }
0x63: {  	_ =	shalt  }
0x64: {  	_ =	shalt  }
0x65: {  	_ =	shalt  }
0x66: {  	_ =	shalt  }
0x67: {  	_ =	shalt  }
0x68: {  	_ =	shalt  }
0x69: {  	_ =	shalt  }
0x6a: {  	_ =	shalt  }
0x6b: {  	_ =	shalt  }
0x6c: {  	_ =	shalt  }
0x6d: {  	_ =	shalt  }
0x6e: {  	_ =	shalt  }
0x6f: {  	_ =	shalt  }
0x70: {  	_ =	shalt  }
0x71: {  	_ =	shalt  }
0x72: {  	_ =	shalt  }
0x73: {  	_ =	shalt  }
0x74: {  	_ =	shalt  }
0x75: {  	_ =	shalt  }
0x76: {  	_ =	shalt  }
0x77: {  	_ =	shalt  }
0x78: {  	_ =	shalt  }
0x79: {  	_ =	shalt  }
0x7a: {  	_ =	shalt  }
0x7b: {  	_ =	shalt  }
0x7c: {  	_ =	shalt  }
0x7d: {  	_ =	shalt  }
0x7e: {  	_ =	shalt  }
0x7f: {  	_ =	shalt  }
0x80: {  	_ =	shalt  }
0x81: {  	_ =	shalt  }
0x82: {  	_ =	shalt  }
0x83: {  	_ =	shalt  }
0x84: {  	_ =	shalt  }
0x85: {  	_ =	shalt  }
0x86: {  	_ =	shalt  }
0x87: {  	_ =	shalt  }
.Lfunc_end0:
.L_simem_size_0:
called_computation_lowered:
.L_overlay_start_0:
0x88: {  	s2 =	sld [smem:$0x3FD9]  }
0x89: {  	s3 =	sld [smem:$0x3FFE];
	_ =	sdelay $0x1  }
0x8a: {  	s1 =	srdreg.scid  }
0x8b: {  	s0 =	sand.u32 $0x1, s1  }
0x8c: {  	s17 =	sshll.u32 s0, $0xA;
	s2 =	sadd.s32 s3, s2  }
0x8d: {  	s2 =	sadd.s32 s2, s17  }
0x8e: {  	[smem:$0x3FC4] =	sst s2  }
0x8f: {  	_ = 	snop  }
0x90: {  	s2 =	sld [smem:$0x3FD0];
	(tm) =	ssettm $0x1  }
0x91: {  	s18 =	sld [smem:$0x3FFB];
	_ =	sdelay $0x3  }
0x92: {  	_ =	strace s18  }
0x93: {  	s3 =	sld [smem:$0x3FFC];
	_ =	sdelay $0x3  }
0x94: {  	_ =	strace s3  }
0x95: {  	s3 =	sld [smem:$0x3FFD];
	_ =	sdelay $0x3  }
0x96: {  	_ =	strace s3  }
0x97: {  	_ =	strace $0x8FFFFFFF  }
0x98: {  	s19 =	sld [smem:$0x3FDB];
	_ =	sdelay $0x1  }
0x99: {  	s4 =	simm.s32 $_scs_section_size  }
0x9a: {  	s5 =	simm.s32 $_size__tile_overlayer_lowered;
	s6 =	simm.s32 $_tile_overlayer_lowered  }
0x9b: {  	s22 =	simm.s32 $0x1BFF;
	s21 =	sshll.u32 s6, $0x1;
	s3 =	sadd.s32 s4, s19  }
0x9c: {  	s7 =	simm.s32 $0x0;
	s20 =	sshll.u32 s5, $0x1;
	s5 =	sadd.s32 s21, s3  }
0x9d: {  	[timem:s7], [sflag:s22] =	dma.local [hbm:s5], s20  }
0x9e: {  	_ =	swait.ge [sflag:s22], s20  }
0x9f: {  	s4 =	ssub.s32 $0x0, s20;
	[sflag:s22] =	ssyncset.done $0x0  }
0xa0: {  	[sflag:s22] =	ssyncadd.s32 s4;
	_ =	sdelay $0x1  }
0xa1: {  	s23 =	simm.s32 $0x1B8B  }
0xa2: {  	_ =	swait.ge [sflag:s23], $0x1  }
0xa3: {  	[sflag:s23] =	ssyncset.done $0x0  }
0xa4: {  	s25 =	simm.s32 $0x1B8E;
	s24 =	sld [smem:$0x3FFE];
	[sflag:s23] =	ssyncadd.s32 $0xFFFFFFFF  }
0xa5: {  	s26 =	simm.s32 $execute0_lowered;
	[smem:$0x3FD2] =	sst s25  }
0xa6: {  	s5 =	sshll.u32 s26, $0x1;
	_ =	strace $0x80000046;
	[dreg:$0x1] =	wrdreg $0xFFFFFFFF  }
0xa7: {  	s28 =	simm.s32 $_size_execute0_lowered;
	s3 =	sadd.s32 s3, s5;
	[dreg:$0x0] =	wrdreg $0x0  }
0xa8: {  	s5 =	sshll.u32 s28, $0x1;
	[dreg:$0x2] =	wrdreg s3  }
0xa9: {  	[dreg:$0x3] =	wrdreg s5  }
0xaa: {  	[dreg:$0x4] =	wrdreg $0xC0  }
0xab: {  	_ =	task [dreg:s7], $0x5FFFF  }
0xac: {  	[dreg:$0x1] =	wrdreg $0xFFFFFFFF  }
0xad: {  	[dreg:$0x0] =	wrdreg $0x60  }
0xae: {  	[dreg:$0x2] =	wrdreg s2  }
0xaf: {  	[dreg:$0x3] =	wrdreg s24  }
0xb0: {  	[dreg:$0x4] =	wrdreg $0x68000  }
0xb1: {  	[dreg:$0x5] =	wrdreg $0x9  }
0xb2: {  	_ =	task.clear_ibuf [dreg:s7], $0x6FFFF;
	_ =	strace $0x90000046  }
0xb3: {  	s29 =	simm.s32 $0x9;
	_ =	strace $0x80000048  }
0xb4: {  	_ =	swait.ge [sflag:s29], $0x1  }
0xb5: {  	[sflag:s29] =	ssyncadd.s32 $0xFFFFFFFF  }
0xb6: {  	_ =	strace $0x90000048  }
0xb7: {  	_ =	sfence  }
0xb8: {  	s30 =	sld [smem:$0x0];
	_ =	sdelay $0x2  }
0xb9: {  	s31 =	sshll.u32 s1, $0xD;
	s1 =	sshrl.u32 s1, $0x2  }
0xba: {  	s3 =	sand.u32 $0x4000, s31;
	s1 =	sadd.s32 s1, s30  }
0xbb: {  	s0 =	sor.u32 s3, s0;
	s1 =	sshll.u32 s1, $0x11  }
0xbc: {  	s0 =	sor.u32 s1, s0  }
0xbd: {  	s0 =	sadd.s32 $0x8F2B, s0  }
0xbe: {  	[sflag:s0] =	ssyncadd.remote.s32 $0x1  }
0xbf: {  	_ =	sfence.sel $0xFFFF  }
0xc0: {  	[dreg:$0x0] =	wrdreg $0xFFFFFFFF;
	(pc) =	sbr.abs _section_cstart, $3  }
0xc1: {  	[dreg:$0x1] =	wrdreg $0xFFFFFFFF  }
0xc2: {  	_ =	task.clear_ibuf [dreg:s7], $0x2FFFF;
	_ =	strace $0x9FFFFFFF  }
0xc3: {  	(tm) =	ssettm $0x7FFFFFFF  }
tec
execute0_lowered:
.L_overlay_start_1:
0x0: {  	(tag) =	ssettag $0x1  }
0x1: {  	s6 =	rddreg [dreg:$0x0]  }
0x2: {  	s4 =	rddreg [dreg:$0x1];
	s0 =	stileid.u32  }
0x3: {  	s1 =	srdreg.scid;
	s2 =	rddreg [dreg:$0x2];
	s3 =	simm.s32 $0x0  }
0x4: {  	s5 =	smul.u32 $0x14000, s0;
	s7 =	sand.u32 $0x1, s1;
	s1 =	rddreg [dreg:$0x3]  }
0x5: {  	[smem:$0x7FF] =	sst s3;
	s24 =	sshll.u32 s0, $0x1;
	s10 =	smul.u32 $0x50000, s0  }
0x6: {  	s31 =	sshll.u32 s0, $0x6;
	s8 =	smul.u32 $0x140000, s7;
	_ =	strace $0x80000047  }
0x7: {  	s25 =	ssub.s32 $0x2, s7;
	s26 =	sor.u32 s7, s24;
	s9 =	sshrl.u32 s5, $0x3  }
0x8: {  	s28 =	sshrl.u32 s25, $0x1;
	s29 =	sshrl.u32 s10, $0x2;
	s30 =	smul.u32 $0x500, s26  }
0x9: {  	s10 =	simm.s32 $0x1;
	s9 =	sadd.s32 s9, s4;
	s5 =	sadd.s32 s5, s8  }
0xa: {  	s12 =	ssub.s32 s25, s28;
	s13 =	sadd.s32 s29, s2;
	s5 =	sshrl.u32 s5, $0x3  }
0xb: {  	s6 =	sadd.s32 s6, s30;
	s8 =	smax.u32 s12, $0x1;
	s12 =	simm.s32 $0x2800  }
0xc: {  	v0 =	vimm.f32 $0.0e+00;
	vm0 =	vcmask $0x300;
	s11 =	sadd.s32 s5, s4;
	s4 =	sadd.s32 $0x1400, s9;
	s5 =	sor.u32 $0x1C01, s31  }
0xd: {  	v0 =	vsel vm0, $0x3F800000, v0;
	s9 =	sshrl.u32 s13, $0x3;
	s7 =	sadd.s32 $0x29400, s11;
	s11 =	simm.s32 $0x80  }
.LBB2_1:
0xe: {  	s13 =	simm.s32 $0x200;
	s14 =	simm.s32 $0x0  }
.LBB2_2:
0xf: {  	p0 =	sne.s32 s13, $0xFE00;
	[tilespmem:s14+$0x2800] =	vst v0;
	s14 =	smov.u32 s13;
	s13 =	sadd.s32 $0x200, s13  }
.Ltmp0:
0x10: {  	(pc) =	sbr.rel @p0 .LBB2_2-.Ltmp0, $2  }
0x11: {  	_ =	sdelay $0x2  }
0x12: {  	s14 =	sshra.s32 s14, $0x2  }
0x13: {  	[tilespmem:s14+$0x2800] =	vst v0  }
0x14: {  	[spmem:s9], [sflag:s5] =	dma.local [hbm:s4], $0x2800  }
0x15: {  	_ =	swait.ge [sflag:s10], $0x2800  }
0x16: {  	[sflag:s10] =	ssyncset.done $0x0  }
0x17: {  	s13 =	simm.s32 $0x0;
	[sflag:s10] =	ssyncadd.s32 $0xFFFFD800  }
0x18: {  	[tilespmem:s13], [sflag:$0x1] =	stream.linear.gather [hbm4b:s6+s13], $0x2800, $0x38;
	[tilespmem:$0x9000] =	vst v63  }
0x19: {  	_ =	swait.ge [sflag:s10], $0x2800  }
0x1a: {  	[sflag:s10] =	ssyncset.done $0x0  }
0x1b: {  	[sflag:s10] =	ssyncadd.s32 $0xFFFFD800  }
0x1c: {  	s31 =	simm.s32 $0x0;
	[bflag:$0x0] =	sbarrier.arrive $0xFFFF  }
0x1d: {  	[spmem:s2] =	stream.indirect.scatter.add.f32 [tilespmem:s12], [sflag:$0x1], $0x10, s31, s11, $0xb8;
	[tilespmem:$0x9000] =	vst v63  }
0x1e: {  	_ =	swait.ge [sflag:s10], $0x800  }
0x1f: {  	s13 =	simm.s32 $0x200;
	[sflag:s10] =	ssyncset.done $0x0  }
.LBB2_4:
0x20: {  	s14 =	sshra.s32 s13, $0x2;
	[sflag:s10] =	ssyncadd.s32 $0xFFFFF800;
	p0 =	sne.s32 s13, $0x9E00  }
0x21: {  	[spmem:s2] =	stream.indirect.scatter.add.f32 [tilespmem:s12], [sflag:$0x1], $0x10, s14, s11, $0xb8;
	[tilespmem:$0x9000] =	vst v63  }
.Ltmp1:
0x22: {  	_ = 	snop;
	(pc) =	sbr.rel @p0 .LBB2_4-.Ltmp1, $4  }
0x23: {  	_ = 	snop  }
0x24: {  	s13 =	sadd.s32 $0x200, s13  }
0x25: {  	_ =	swait.ge [sflag:s10], $0x800  }
0x26: {  	[sflag:s10] =	ssyncset.done $0x0  }
0x27: {  	s3 =	sadd.s32 $0x1, s3  }
0x28: {  	[sflag:s10] =	ssyncadd.s32 $0xFFFFF800;
	p0 =	sne.s32 s3, s8  }
.Ltmp2:
0x29: {  	[bflag:$0x0] =	sbarrier.arrive $0xFFFF;
	(pc) =	sbr.rel @p0 .LBB2_1-.Ltmp2, $4  }
0x2a: {  	[hbm:s7], [sflag:s5] =	dma.local [spmem:s9], $0x2800  }
0x2b: {  	_ =	swait.ge [sflag:s10], $0x2800  }
0x2c: {  	[sflag:s10] =	ssyncset.done $0x0  }
0x2d: {  	[sflag:s10] =	ssyncadd.s32 $0xFFFFD800  }
0x2e: {  	_ =	sfence.sel $0x180000  }
0x2f: {  	[bflag:$0x0] =	sbarrier.arrive $0xFFFF  }
0x30: {  	p0 =	sne.s32 s0, $0x0;
	_ =	strace $0x90000047  }
0x31: {  	s0 =	sadd.s32 @!p0 $0x100000, s1;
	[bflag:$0x2] =	sbarrier.arrive $0xFFFF  }
0x32: {  	[sflag:s0] =	ssyncadd.tile.s32 @!p0 $0x1;
	_ =	shalt  }
.Lfunc_end2:
_tile_overlayer_lowered:
.L_overlay_start_2:
0x33: {  	(tag) =	ssettag $0x2  }
0x34: {  	s0 =	rddreg [dreg:$0x0];
	s2 =	stileid.u32  }
0x35: {  	s1 =	rddreg [dreg:$0x1];
	p0 =	sne.s32 s2, $0x0  }
0x36: {  	s3 =	rddreg [dreg:$0x2];
	[bflag:$0x3] =	sbarrier.arrive $0xFFFF;
	s2 =	simm.s32 @!p0 $0x1C01  }
0x37: {  	[timem:s3], [sflag:s2] =	dma.local @!p0 [hbm:s0], s1  }
0x38: {  	s0 =	simm.s32 @!p0 $0x1  }
0x39: {  	_ =	swait.ge @!p0 [sflag:s0], s1  }
0x3a: {  	s1 =	ssub.s32 @!p0 $0x0, s1;
	[sflag:s0] =	ssyncset.done @!p0 $0x0  }
0x3b: {  	[sflag:s0] =	ssyncadd.s32 @!p0 s1  }
0x3c: {  	[bflag:$0x3] =	sbarrier.arrive $0xFFFF  }
0x3d: {  	_ =	shalt  }

// kernel: kernel.9.cloned.1.call-start
scs
__scs_entry_jumppad:
0x0: {  	(pc) =	sbr.rel $0x88, $3  }
0x1: {  	(tag) =	ssettag $0x0;
	lr =	simm.s32 $0x1  }
0x2: {  	[smem:$0x3F9D] =	sst lr;
	_ =	strace $0xD0000000  }
0x3: {  	_ = 	snop  }
0x4: {  	_ = 	snop  }
0x5: {  	_ = 	snop  }
0x6: {  	_ = 	snop  }
0x7: {  	_ = 	snop  }
__scs_overlays_trampoline_lowered:
0x8: {  	[smem:$0x3FAC] =	sst s0  }
0x9: {  	[smem:$0x3FAD] =	sst s1  }
0xa: {  	[smem:$0x3FAE] =	sst s2  }
0xb: {  	[smem:$0x3FAF] =	sst s3  }
0xc: {  	[smem:$0x3FB0] =	sst s4  }
0xd: {  	[smem:$0x3FB1] =	sst s5  }
0xe: {  	[smem:$0x3FB2] =	sst s6  }
0xf: {  	[smem:$0x3FB3] =	sst s7  }
0x10: {  	[smem:$0x3FB4] =	sst s8  }
0x11: {  	[smem:$0x3FB5] =	sst s9;
	s0 =	simm.s32 @!p0 $0x0  }
0x12: {  	s1 =	sld [smem:$0x3F9B];
	s0 =	simm.s32 @p0 $0x1  }
0x13: {  	[smem:$0x3FB6] =	sst s0;
	s0 =	simm.s32 @!p1 $0x0  }
0x14: {  	s2 =	sld [smem:$0x3F9A];
	s0 =	simm.s32 @p1 $0x1  }
0x15: {  	[smem:$0x3FB7] =	sst s0;
	s0 =	simm.s32 @!p2 $0x0  }
0x16: {  	s3 =	sld [smem:$0x3FDB];
	s0 =	simm.s32 @p2 $0x1  }
0x17: {  	s4 =	simm.s32 $0x1BF5;
	[smem:$0x3FB9] =	sst s0  }
0x18: {  	s0 =	sld [smem:$0x3F9C];
	_ =	swait.ge [sflag:s4], $0x0  }
0x19: {  	s7 =	sld [smem:$0x3F9D]  }
0x1a: {  	s8 =	sadd.s32 $0xFFFFE003, lr  }
0x1b: {  	s9 =	sadd.s32 $0xFFFFFEF7, lr;
	s5 =	simm.s32 $0xFFFFFFFF;
	p2 =	slt.u32 s8, $0xFFFFF086  }
0x1c: {  	p1 =	slt.u32 s9, $0xF7A;
	s5 =	simm.s32 @!p2 $0x0  }
0x1d: {  	s5 =	simm.s32 @p1 $0x1;
	p0 =	seq.s32 s7, s2  }
0x1e: {  	s7 =	smul.u32 @!p0 $0xF7A, s2;
	p2 =	seq.s32 @!p0 s5, $0x0  }
0x1f: {  	s9 =	smul.u32 $0xF7A, s1;
	s8 =	simm.s32 @!p0 $0x1BF5;
	p2 =	por !p2, p0  }
0x20: {  	[sflag:s8] =	ssyncset.s32 @!p0 $0xFFFFF086;
	s6 =	sadd.s32 @!p0 s3, s7;
	s7 =	simm.s32 @!p0 $0x108  }
0x21: {  	s3 =	sadd.s32 s3, s9;
	s6 =	sadd.s32 @!p0 $0x88, s6;
	s7 =	simm.s32 @p2 $0x1082  }
0x22: {  	[simem:s7], [sflag:s8] =	dma.local @!p0 [hbm:s6], $0xF7A  }
0x23: {  	s9 =	sor.u32 $0xD0000000, s2;
	s6 =	simm.s32 $0x108;
	_ =	swait.ge @!p0 [sflag:s8], $0x0  }
0x24: {  	s3 =	sadd.s32 $0x88, s3;
	s6 =	simm.s32 @!p1 $0x1082;
	[sflag:s4] =	ssyncset.s32 $0xFFFFF086  }
0x25: {  	[simem:s6], [sflag:s4] =	dma.local [hbm:s3], $0xF7A  }
0x26: {  	[smem:$0x3F9D] =	sst s1;
	(tag) =	ssettag s2;
	_ =	strace s9  }
0x27: {  	s1 =	sld [smem:$0x3FAD]  }
0x28: {  	s2 =	sld [smem:$0x3FAE]  }
0x29: {  	s4 =	sld [smem:$0x3FB0]  }
0x2a: {  	p0 =	seq.s32 s5, $0x0;
	s5 =	sld [smem:$0x3FB1]  }
0x2b: {  	s6 =	sld [smem:$0x3FB2]  }
0x2c: {  	s7 =	sld [smem:$0x3FB3]  }
0x2d: {  	s3 =	simm.s32 $0x108;
	s8 =	sld [smem:$0x3FB4]  }
0x2e: {  	s3 =	simm.s32 @!p0 $0x1082;
	s9 =	sld [smem:$0x3FB5]  }
0x2f: {  	lr =	sadd.s32 s0, s3;
	s0 =	sld [smem:$0x3FAC]  }
0x30: {  	s3 =	sld [smem:$0x3FAF]  }
0x31: {  	[smem:$0x3FB8] =	sst s10  }
0x32: {  	s10 =	sld [smem:$0x3FB6];
	_ =	sdelay $0x3  }
0x33: {  	p0 =	seq.s32 s10, $0x1;
	s10 =	sld [smem:$0x3FB8];
	_ =	sdelay $0x3  }
0x34: {  	[smem:$0x3FB8] =	sst s10  }
0x35: {  	s10 =	sld [smem:$0x3FB7];
	_ =	sdelay $0x3  }
0x36: {  	p1 =	seq.s32 s10, $0x1;
	s10 =	sld [smem:$0x3FB8];
	_ =	sdelay $0x3  }
0x37: {  	[smem:$0x3FB8] =	sst s10  }
0x38: {  	s10 =	sld [smem:$0x3FB9]  }
0x39: {  	_ = 	snop;
	(pc) =	sbr.ind lr, $3  }
0x3a: {  	_ = 	snop  }
0x3b: {  	_ = 	snop  }
0x3c: {  	p2 =	seq.s32 s10, $0x1;
	s10 =	sld [smem:$0x3FB8]  }
0x3d: {  	_ =	shalt  }
0x3e: {  	_ =	shalt  }
0x3f: {  	_ =	shalt  }
0x40: {  	_ =	shalt  }
0x41: {  	_ =	shalt  }
0x42: {  	_ =	shalt  }
0x43: {  	_ =	shalt  }
0x44: {  	_ =	shalt  }
0x45: {  	_ =	shalt  }
0x46: {  	_ =	shalt  }
0x47: {  	_ =	shalt  }
0x48: {  	_ =	shalt  }
0x49: {  	_ =	shalt  }
0x4a: {  	_ =	shalt  }
0x4b: {  	_ =	shalt  }
0x4c: {  	_ =	shalt  }
0x4d: {  	_ =	shalt  }
0x4e: {  	_ =	shalt  }
0x4f: {  	_ =	shalt  }
0x50: {  	_ =	shalt  }
0x51: {  	_ =	shalt  }
0x52: {  	_ =	shalt  }
0x53: {  	_ =	shalt  }
0x54: {  	_ =	shalt  }
0x55: {  	_ =	shalt  }
0x56: {  	_ =	shalt  }
0x57: {  	_ =	shalt  }
0x58: {  	_ =	shalt  }
0x59: {  	_ =	shalt  }
0x5a: {  	_ =	shalt  }
0x5b: {  	_ =	shalt  }
0x5c: {  	_ =	shalt  }
0x5d: {  	_ =	shalt  }
0x5e: {  	_ =	shalt  }
0x5f: {  	_ =	shalt  }
0x60: {  	_ =	shalt  }
0x61: {  	_ =	shalt  }
0x62: {  	_ =	shalt  }
0x63: {  	_ =	shalt  }
0x64: {  	_ =	shalt  }
0x65: {  	_ =	shalt  }
0x66: {  	_ =	shalt  }
0x67: {  	_ =	shalt  }
0x68: {  	_ =	shalt  }
0x69: {  	_ =	shalt  }
0x6a: {  	_ =	shalt  }
0x6b: {  	_ =	shalt  }
0x6c: {  	_ =	shalt  }
0x6d: {  	_ =	shalt  }
0x6e: {  	_ =	shalt  }
0x6f: {  	_ =	shalt  }
0x70: {  	_ =	shalt  }
0x71: {  	_ =	shalt  }
0x72: {  	_ =	shalt  }
0x73: {  	_ =	shalt  }
0x74: {  	_ =	shalt  }
0x75: {  	_ =	shalt  }
0x76: {  	_ =	shalt  }
0x77: {  	_ =	shalt  }
0x78: {  	_ =	shalt  }
0x79: {  	_ =	shalt  }
0x7a: {  	_ =	shalt  }
0x7b: {  	_ =	shalt  }
0x7c: {  	_ =	shalt  }
0x7d: {  	_ =	shalt  }
0x7e: {  	_ =	shalt  }
0x7f: {  	_ =	shalt  }
0x80: {  	_ =	shalt  }
0x81: {  	_ =	shalt  }
0x82: {  	_ =	shalt  }
0x83: {  	_ =	shalt  }
0x84: {  	_ =	shalt  }
0x85: {  	_ =	shalt  }
0x86: {  	_ =	shalt  }
0x87: {  	_ =	shalt  }
.Lfunc_end0:
.L_simem_size_0:
called_computation.1_lowered:
.L_overlay_start_0:
0x88: {  	s2 =	sld [smem:$0x3FD9]  }
0x89: {  	s3 =	sld [smem:$0x3FFE];
	_ =	sdelay $0x1  }
0x8a: {  	s1 =	srdreg.scid  }
0x8b: {  	s0 =	sand.u32 $0x1, s1  }
0x8c: {  	s17 =	sshll.u32 s0, $0xA;
	s2 =	sadd.s32 s3, s2  }
0x8d: {  	s2 =	sadd.s32 s2, s17  }
0x8e: {  	[smem:$0x3FC4] =	sst s2  }
0x8f: {  	_ = 	snop  }
0x90: {  	s2 =	sld [smem:$0x3FD0];
	(tm) =	ssettm $0x1  }
0x91: {  	s18 =	sld [smem:$0x3FFB];
	_ =	sdelay $0x3  }
0x92: {  	_ =	strace s18  }
0x93: {  	s3 =	sld [smem:$0x3FFC];
	_ =	sdelay $0x3  }
0x94: {  	_ =	strace s3  }
0x95: {  	s3 =	sld [smem:$0x3FFD];
	_ =	sdelay $0x3  }
0x96: {  	_ =	strace s3  }
0x97: {  	_ =	strace $0x8FFFFFFF  }
0x98: {  	s19 =	sld [smem:$0x3FDB];
	_ =	sdelay $0x1  }
0x99: {  	s4 =	simm.s32 $_scs_section_size  }
0x9a: {  	s5 =	simm.s32 $_size__tile_overlayer_lowered;
	s6 =	simm.s32 $_tile_overlayer_lowered  }
0x9b: {  	s22 =	simm.s32 $0x1BFF;
	s21 =	sshll.u32 s6, $0x1;
	s3 =	sadd.s32 s4, s19  }
0x9c: {  	s7 =	simm.s32 $0x0;
	s20 =	sshll.u32 s5, $0x1;
	s5 =	sadd.s32 s21, s3  }
0x9d: {  	[timem:s7], [sflag:s22] =	dma.local [hbm:s5], s20  }
0x9e: {  	_ =	swait.ge [sflag:s22], s20  }
0x9f: {  	s4 =	ssub.s32 $0x0, s20;
	[sflag:s22] =	ssyncset.done $0x0  }
0xa0: {  	[sflag:s22] =	ssyncadd.s32 s4;
	_ =	sdelay $0x1  }
0xa1: {  	s23 =	simm.s32 $0x1B8B  }
0xa2: {  	_ =	swait.ge [sflag:s23], $0x1  }
0xa3: {  	[sflag:s23] =	ssyncset.done $0x0  }
0xa4: {  	s25 =	simm.s32 $0x1B8E;
	s24 =	sld [smem:$0x3FFE];
	[sflag:s23] =	ssyncadd.s32 $0xFFFFFFFF  }
0xa5: {  	s26 =	simm.s32 $execute0_lowered;
	[smem:$0x3FD2] =	sst s25  }
0xa6: {  	s5 =	sshll.u32 s26, $0x1;
	_ =	strace $0x80000049;
	[dreg:$0x1] =	wrdreg $0xFFFFFFFF  }
0xa7: {  	s28 =	simm.s32 $_size_execute0_lowered;
	s3 =	sadd.s32 s3, s5;
	[dreg:$0x0] =	wrdreg $0x0  }
0xa8: {  	s5 =	sshll.u32 s28, $0x1;
	[dreg:$0x2] =	wrdreg s3  }
0xa9: {  	[dreg:$0x3] =	wrdreg s5  }
0xaa: {  	[dreg:$0x4] =	wrdreg $0xC0  }
0xab: {  	_ =	task [dreg:s7], $0x5FFFF  }
0xac: {  	[dreg:$0x1] =	wrdreg $0xFFFFFFFF  }
0xad: {  	[dreg:$0x0] =	wrdreg $0x60  }
0xae: {  	[dreg:$0x2] =	wrdreg s2  }
0xaf: {  	[dreg:$0x3] =	wrdreg s24  }
0xb0: {  	[dreg:$0x4] =	wrdreg $0x98000  }
0xb1: {  	[dreg:$0x5] =	wrdreg $0x9  }
0xb2: {  	_ =	task.clear_ibuf [dreg:s7], $0x6FFFF;
	_ =	strace $0x90000049  }
0xb3: {  	s29 =	simm.s32 $0x9;
	_ =	strace $0x8000004B  }
0xb4: {  	_ =	swait.ge [sflag:s29], $0x1  }
0xb5: {  	[sflag:s29] =	ssyncadd.s32 $0xFFFFFFFF  }
0xb6: {  	_ =	strace $0x9000004B  }
0xb7: {  	_ =	sfence  }
0xb8: {  	s30 =	sld [smem:$0x0];
	_ =	sdelay $0x2  }
0xb9: {  	s31 =	sshll.u32 s1, $0xD;
	s1 =	sshrl.u32 s1, $0x2  }
0xba: {  	s3 =	sand.u32 $0x4000, s31;
	s1 =	sadd.s32 s1, s30  }
0xbb: {  	s0 =	sor.u32 s3, s0;
	s1 =	sshll.u32 s1, $0x11  }
0xbc: {  	s0 =	sor.u32 s1, s0  }
0xbd: {  	s0 =	sadd.s32 $0x8F2B, s0  }
0xbe: {  	[sflag:s0] =	ssyncadd.remote.s32 $0x1  }
0xbf: {  	_ =	sfence.sel $0xFFFF  }
0xc0: {  	[dreg:$0x0] =	wrdreg $0xFFFFFFFF;
	(pc) =	sbr.abs _section_cstart, $3  }
0xc1: {  	[dreg:$0x1] =	wrdreg $0xFFFFFFFF  }
0xc2: {  	_ =	task.clear_ibuf [dreg:s7], $0x2FFFF;
	_ =	strace $0x9FFFFFFF  }
0xc3: {  	(tm) =	ssettm $0x7FFFFFFF  }
tec
execute0_lowered:
.L_overlay_start_1:
0x0: {  	(tag) =	ssettag $0x1  }
0x1: {  	s1 =	rddreg [dreg:$0x0]  }
0x2: {  	s0 =	stileid.u32;
	s6 =	rddreg [dreg:$0x1]  }
0x3: {  	s2 =	srdreg.scid;
	s4 =	rddreg [dreg:$0x2];
	s16 =	simm.s32 $0x2C00  }
0x4: {  	s17 =	simm.s32 $0x80;
	s18 =	simm.s32 $0x5800;
	s5 =	smul.u32 $0x4E, s0  }
0x5: {  	s19 =	simm.s32 $0x1;
	s20 =	simm.s32 $0x0;
	s7 =	smul.u32 $0x4F, s0  }
0x6: {  	s3 =	sand.u32 $0x1, s2;
	s2 =	rddreg [dreg:$0x3];
	s8 =	smul.u32 $0x14000, s0  }
0x7: {  	s12 =	smul.u32 $0x50000, s0;
	s30 =	sshll.u32 s0, $0x6;
	p0 =	seq.s32 s3, $0x0  }
0x8: {  	s10 =	smul.u32 $0x140000, s3;
	s28 =	ssub.s32 $0x2, s3;
	s9 =	sadd.s32 $0x4F0, s5  }
0x9: {  	s5 =	simm.s32 $0x0;
	s26 =	sshrl.u32 s8, $0x3;
	s13 =	sshrl.u32 s28, $0x1  }
0xa: {  	s29 =	sshrl.u32 s12, $0x2;
	s9 =	smov.u32 @p0 s7;
	[smem:$0x7FF] =	sst s5  }
0xb: {  	s8 =	sadd.s32 s8, s10;
	s13 =	ssub.s32 s28, s13;
	s15 =	sadd.s32 s29, s4  }
0xc: {  	s7 =	sshll.u32 s9, $0x4;
	_ =	strace $0x8000004A;
	s8 =	sshrl.u32 s8, $0x3  }
0xd: {  	s31 =	sshll.u32 s9, $0x7;
	s12 =	smax.u32 s13, $0x1;
	s7 =	sand.u32 $0xFF80, s7  }
0xe: {  	s14 =	sadd.s32 s8, s6;
	s11 =	sadd.s32 s7, s6;
	s7 =	sadd.s32 s26, s6  }
0xf: {  	s10 =	sadd.s32 $0x8D400, s14;
	s14 =	sshrl.u32 s15, $0x3;
	s15 =	simm.s32 $0x2  }
0x10: {  	s8 =	sadd.s32 $0x83400, s11;
	s9 =	sadd.s32 $0x79400, s11;
	s11 =	sand.u32 $0x380, s31  }
0x11: {  	s6 =	sadd.s32 $0x1400, s7;
	s7 =	sor.u32 $0x1C02, s30;
	s13 =	sor.u32 $0x2C00, s11  }
.LBB2_1:
0x12: {  	[spmem:s14], [sflag:s7] =	dma.local [hbm:s6], $0x2800  }
0x13: {  	_ =	swait.ge [sflag:s15], $0x2800  }
0x14: {  	[sflag:s15] =	ssyncset.done $0x0  }
0x15: {  	[sflag:s15] =	ssyncadd.s32 $0xFFFFD800  }
0x16: {  	[tilespmem:s5], [sflag:$0x2] =	stream.linear.gather [hbm4b:s8+s5], $0x2C00, $0x38;
	[tilespmem:$0x1D800] =	vst v63  }
0x17: {  	_ =	swait.ge [sflag:s15], $0x2C00  }
0x18: {  	[sflag:s15] =	ssyncset.done $0x0  }
0x19: {  	[sflag:s15] =	ssyncadd.s32 $0xFFFFD400  }
0x1a: {  	[tilespmem:s16], [sflag:$0x2] =	stream.linear.gather [hbm4b:s9+s5], $0x2C00, $0x38;
	[tilespmem:$0x1D800] =	vst v63  }
0x1b: {  	_ =	swait.ge [sflag:s15], $0x2C00  }
0x1c: {  	[sflag:s15] =	ssyncset.done $0x0  }
0x1d: {  	s21 =	smov.u32 s13;
	[sflag:s15] =	ssyncadd.s32 $0xFFFFD400  }
0x1e: {  	s22 =	smov.u32 s11;
	s23 =	simm.s32 $0x1;
	[bflag:$0x0] =	sbarrier.arrive $0xFFFF  }
.LBB2_2:
0x1f: {  	[tilespmem:s18], [sflag:$0x1] =	stream.indirect.gather [hbm4b:s1+s17], $0x80, s22, s17, $0xb8;
	[tilespmem:$0x1D800] =	vst v63  }
0x20: {  	s24 =	sxor.u32 s23, s3;
	_ =	swait.ge [sflag:s19], $0x4000  }
0x21: {  	p0 =	sne.s32 s24, $0x4F;
	[sflag:s19] =	ssyncset.done $0x0  }
.Ltmp0:
0x22: {  	[sflag:s19] =	ssyncadd.s32 $0xFFFFC000;
	(pc) =	sbr.rel @p0 .LBB2_2-.Ltmp0, $4  }
0x23: {  	[spmem:s4] =	stream.indirect.scatter.add.f32 [tilespmem:s18], [sflag:$0x2], $0x80, s21, s17, $0xb8;
	[tilespmem:$0x1D800] =	vst v63  }
0x24: {  	_ =	swait.ge [sflag:s15], $0x4000  }
0x25: {  	s23 =	sadd.s32 $0x1, s23;
	[sflag:s15] =	ssyncset.done $0x0  }
0x26: {  	s22 =	sadd.s32 $0x80, s22;
	s21 =	sadd.s32 $0x80, s21;
	[sflag:s15] =	ssyncadd.s32 $0xFFFFC000  }
0x27: {  	s20 =	sadd.s32 $0x1, s20  }
0x28: {  	p0 =	sne.s32 s20, s12  }
.Ltmp1:
0x29: {  	[bflag:$0x0] =	sbarrier.arrive $0xFFFF;
	(pc) =	sbr.rel @p0 .LBB2_1-.Ltmp1, $4  }
0x2a: {  	[hbm:s10], [sflag:s7] =	dma.local [spmem:s14], $0x2800  }
0x2b: {  	_ =	swait.ge [sflag:s15], $0x2800  }
0x2c: {  	[sflag:s15] =	ssyncset.done $0x0  }
0x2d: {  	[sflag:s15] =	ssyncadd.s32 $0xFFFFD800  }
0x2e: {  	_ =	sfence.sel $0x180000  }
0x2f: {  	[bflag:$0x0] =	sbarrier.arrive $0xFFFF  }
0x30: {  	p0 =	sne.s32 s0, $0x0;
	_ =	strace $0x9000004A  }
0x31: {  	s0 =	sadd.s32 @!p0 $0x100000, s2;
	[bflag:$0x2] =	sbarrier.arrive $0xFFFF  }
0x32: {  	[sflag:s0] =	ssyncadd.tile.s32 @!p0 $0x1;
	_ =	shalt  }
.Lfunc_end2:
_tile_overlayer_lowered:
.L_overlay_start_2:
0x33: {  	(tag) =	ssettag $0x2  }
0x34: {  	s0 =	rddreg [dreg:$0x0];
	s2 =	stileid.u32  }
0x35: {  	s1 =	rddreg [dreg:$0x1];
	p0 =	sne.s32 s2, $0x0  }
0x36: {  	s3 =	rddreg [dreg:$0x2];
	[bflag:$0x3] =	sbarrier.arrive $0xFFFF;
	s2 =	simm.s32 @!p0 $0x1C02  }
0x37: {  	[timem:s3], [sflag:s2] =	dma.local @!p0 [hbm:s0], s1  }
0x38: {  	s0 =	simm.s32 @!p0 $0x2  }
0x39: {  	_ =	swait.ge @!p0 [sflag:s0], s1  }
0x3a: {  	s1 =	ssub.s32 @!p0 $0x0, s1;
	[sflag:s0] =	ssyncset.done @!p0 $0x0  }
0x3b: {  	[sflag:s0] =	ssyncadd.s32 @!p0 s1  }
0x3c: {  	[bflag:$0x3] =	sbarrier.arrive $0xFFFF  }
0x3d: {  	_ =	shalt  }

</sc_bundles>
